<compile_context>
chip_gen: v7x
topology: tpu7x:2x2x1
jax: 0.10.2.dev20260603
libtpu: 0.0.44.dev20260713+nightly
codegen_flags: <defaults>
</compile_context>

<pallas_src>
import functools

import jax
import jax.numpy as jnp
from jax import lax
from jax.experimental import pallas as pl
from jax.experimental.pallas import tpu as pltpu
from jax.experimental.pallas import tpu_sc as plsc

N = 10000
E = 320000
D = 128
G = 64

NC = 2
NS = 16
NW = NC * NS
CHUNK = 128
NCH = 79
NCH_A = 102
NCH_B = 2 * NCH - NCH_A
EW = NCH * CHUNK
E_PAD = NS * (NCH_A + NCH_B) * CHUNK
N_PAD = 10240
RPT = N_PAD // NS

BLK = 512
NBLK = N_PAD // BLK

_mesh = plsc.VectorSubcoreMesh(core_axis_name="c", subcore_axis_name="s")


@functools.partial(
    pl.kernel,
    out_type=jax.ShapeDtypeStruct((NC, N_PAD, D), jnp.float32),
    mesh=_mesh,
    scratch_types=[
        pltpu.VMEM((NCH_A, CHUNK), jnp.int32),
        pltpu.VMEM((NCH_A, CHUNK), jnp.int32),
        pltpu.VMEM((CHUNK, D), jnp.float32),
        pltpu.VMEM_SHARED((N_PAD, D), jnp.float32),
    ],
)
def _sc_agg(src_a_hbm, dst_a_hbm, src_b_hbm, dst_b_hbm, h_hbm, zeros_hbm,
            out_hbm, src_v, dst_v, rows_v, agg_sh):
    cid = lax.axis_index("c")
    sid = lax.axis_index("s")

    pltpu.sync_copy(zeros_hbm, agg_sh.at[pl.ds(sid * RPT, RPT)])

    @pl.when(cid == 0)
    def _():
        pltpu.sync_copy(src_a_hbm.at[sid], src_v)
        pltpu.sync_copy(dst_a_hbm.at[sid], dst_v)

    @pl.when(cid == 1)
    def _():
        pltpu.sync_copy(src_b_hbm.at[sid], src_v.at[pl.ds(0, NCH_B)])
        pltpu.sync_copy(dst_b_hbm.at[sid], dst_v.at[pl.ds(0, NCH_B)])

    plsc.subcore_barrier()

    nch = jnp.where(cid == 0, NCH_A, NCH_B)

    def body(j, carry):
        pltpu.sync_copy(h_hbm.at[src_v.at[j]], rows_v)
        pltpu.sync_copy(rows_v, agg_sh.at[dst_v.at[j]], add=True)
        return carry

    lax.fori_loop(0, nch, body, 0)

    plsc.subcore_barrier()

    pltpu.sync_copy(agg_sh.at[pl.ds(sid * RPT, RPT)],
                    out_hbm.at[cid, pl.ds(sid * RPT, RPT)])


def _tc_layer_body(h_ref, a0_ref, a1_ref, w_ref, b_ref, o_ref):
    s = h_ref[...] + a0_ref[...] + a1_ref[...]
    o_ref[...] = jnp.maximum(
        jnp.dot(s, w_ref[...], preferred_element_type=jnp.float32) + b_ref[...],
        0.0)


_tc_layer = pl.pallas_call(
    _tc_layer_body,
    grid=(NBLK,),
    in_specs=[
        pl.BlockSpec((BLK, D), lambda i: (i, 0)),
        pl.BlockSpec((BLK, D), lambda i: (i, 0)),
        pl.BlockSpec((BLK, D), lambda i: (i, 0)),
        pl.BlockSpec((D, D), lambda i: (0, 0)),
        pl.BlockSpec((1, D), lambda i: (0, 0)),
    ],
    out_specs=pl.BlockSpec((BLK, D), lambda i: (i, 0)),
    out_shape=jax.ShapeDtypeStruct((N_PAD, D), jnp.float32),
)


def _tc_final_body(h_ref, a0_ref, a1_ref, w_ref, b_ref, bi_ref, wp_ref,
                   bp_ref, o_ref, sums, counts):
    i = pl.program_id(0)

    @pl.when(i == 0)
    def _():
        sums[...] = jnp.zeros_like(sums)
        counts[...] = jnp.zeros_like(counts)

    s = h_ref[...] + a0_ref[...] + a1_ref[...]
    h3 = jnp.maximum(
        jnp.dot(s, w_ref[...], preferred_element_type=jnp.float32) + b_ref[...],
        0.0)

    bi = bi_ref[0, 0]
    onehot = (bi[:, None] == lax.broadcasted_iota(jnp.int32, (1, G), 1)
              ).astype(jnp.float32)
    sums[...] += lax.dot_general(onehot, h3, (((0,), (0,)), ((), ())),
                                 preferred_element_type=jnp.float32)
    counts[...] += jnp.broadcast_to(jnp.sum(onehot, axis=0)[:, None], (G, D))

    @pl.when(i == NBLK - 1)
    def _():
        pooled = sums[...] / jnp.maximum(counts[...], 1.0)
        o_ref[...] = jnp.maximum(
            jnp.dot(pooled, wp_ref[...], preferred_element_type=jnp.float32)
            + bp_ref[...], 0.0)


_tc_final = pl.pallas_call(
    _tc_final_body,
    grid=(NBLK,),
    in_specs=[
        pl.BlockSpec((BLK, D), lambda i: (i, 0)),
        pl.BlockSpec((BLK, D), lambda i: (i, 0)),
        pl.BlockSpec((BLK, D), lambda i: (i, 0)),
        pl.BlockSpec((D, D), lambda i: (0, 0)),
        pl.BlockSpec((1, D), lambda i: (0, 0)),
        pl.BlockSpec((1, 1, BLK), lambda i: (i, 0, 0)),
        pl.BlockSpec((D, D), lambda i: (0, 0)),
        pl.BlockSpec((1, D), lambda i: (0, 0)),
    ],
    out_specs=pl.BlockSpec((G, D), lambda i: (0, 0)),
    out_shape=jax.ShapeDtypeStruct((G, D), jnp.float32),
    scratch_shapes=[
        pltpu.VMEM((G, D), jnp.float32),
        pltpu.VMEM((G, D), jnp.float32),
    ],
)


def kernel(x, edge_index, batch_index, W0, b0, W1, b1, W2, b2, Wp, bp):
    src = edge_index[0]
    dst = edge_index[1]
    pad_e = E_PAD - E
    src_p = jnp.concatenate([src, jnp.zeros((pad_e,), jnp.int32)])
    pad_dst = N + (jnp.arange(pad_e, dtype=jnp.int32) % (N_PAD - N))
    dst_p = jnp.concatenate([dst, pad_dst])
    ea = NS * NCH_A * CHUNK
    src_a = src_p[:ea].reshape(NS, NCH_A, CHUNK)
    dst_a = dst_p[:ea].reshape(NS, NCH_A, CHUNK)
    src_b = src_p[ea:].reshape(NS, NCH_B, CHUNK)
    dst_b = dst_p[ea:].reshape(NS, NCH_B, CHUNK)
    bi_r = jnp.pad(batch_index, (0, N_PAD - N),
                   constant_values=G).reshape(NBLK, 1, BLK)
    zeros_tile = jnp.zeros((RPT, D), jnp.float32)

    h = jnp.pad(x, ((0, N_PAD - N), (0, 0)))
    for (W, b) in ((W0, b0), (W1, b1)):
        agg = _sc_agg(src_a, dst_a, src_b, dst_b, h, zeros_tile)
        h = _tc_layer(h, agg[0], agg[1], W, b.reshape(1, D))

    agg = _sc_agg(src_a, dst_a, src_b, dst_b, h, zeros_tile)
    return _tc_final(h, agg[0], agg[1], W2, b2.reshape(1, D), bi_r, Wp,
                     bp.reshape(1, D))

# --- scband reference (transcript-rebuilt; emitter-appended) ---
"""Pipeline reference for scband-gcn-29678224015760 (READ-ONLY COPY).

The authoritative reference and input builder live on the scoring server;
editing this copy changes nothing except your own understanding.
"""

import jax, jax.numpy as jnp
import numpy as np

N = 10000      # nodes
E = 320000     # edges
D = 128        # embedding_size == num_features (pairing.data.Dataset.num_features() assumed = 128)
G = 64         # graphs in batch
NUM_LAYERS = 3


def setup_inputs(seed: int = 0) -> dict:
    key = jax.random.key(seed)
    ks = jax.random.split(key, 16)
    x = jax.random.normal(ks[0], (N, D), dtype=jnp.float32)
    edge_index = jax.random.randint(ks[1], (2, E), 0, N, dtype=jnp.int32)
    batch_index = jnp.sort(jax.random.randint(ks[2], (N,), 0, G, dtype=jnp.int32))
    s = 1.0 / np.sqrt(D)
    inp = {"x": x, "edge_index": edge_index, "batch_index": batch_index}
    # GINConv MLP weights: Linear(in, hidden) per layer
    for i in range(NUM_LAYERS):
        inp[f"W{i}"] = jax.random.normal(ks[3 + 2 * i], (D, D), dtype=jnp.float32) * s
        inp[f"b{i}"] = jnp.zeros((D,), dtype=jnp.float32)
    # post_mp Linear(embedding_size, embedding_size)
    inp["Wp"] = jax.random.normal(ks[12], (D, D), dtype=jnp.float32) * s
    inp["bp"] = jnp.zeros((D,), dtype=jnp.float32)
    return inp


def reference(x, edge_index, batch_index, W0, b0, W1, b1, W2, b2, Wp, bp):
    # GINConv (eps=0, default): x_i' = MLP(x_i + sum_{j in N(i)} x_j)
    # MLP = Linear -> ReLU -> Dropout(eval mode => identity)
    src = edge_index[0]
    dst = edge_index[1]

    def gin_layer(h, W, b):
        msgs = jnp.take(h, src, axis=0)                      # gather (SparseCore)
        agg = jax.ops.segment_sum(msgs, dst, num_segments=N) # scatter-add
        out = (h + agg) @ W + b
        return jax.nn.relu(out)

    h = x
    for W, b in ((W0, b0), (W1, b1), (W2, b2)):
        h = gin_layer(h, W, b)

    # global_mean_pool over batch_index
    ones = jnp.ones((N,), dtype=h.dtype)
    counts = jax.ops.segment_sum(ones, batch_index, num_segments=G)
    sums = jax.ops.segment_sum(h, batch_index, num_segments=G)
    pooled = sums / jnp.maximum(counts, 1.0)[:, None]

    # post_mp: Linear -> ReLU -> Dropout(eval => identity)
    return jax.nn.relu(pooled @ Wp + bp)

if __name__ == "__main__":
    import jax
    _d = setup_inputs()
    print(jax.jit(kernel)(*tuple(_d.values())))

</pallas_src>

<mosaic_0001>
#map = affine_map<(d0, d1) -> (0, 0, 0)>
#map1 = affine_map<(d0, d1) -> (0, 0)>
module attributes {stable_mosaic.version = 14 : i64} {
  func.func @_sc_agg(%arg0: i32, %arg1: i32, %arg2: memref<16x102x128xi32, #tpu.memory_space<hbm>>, %arg3: memref<16x102x128xi32, #tpu.memory_space<hbm>>, %arg4: memref<16x56x128xi32, #tpu.memory_space<hbm>>, %arg5: memref<16x56x128xi32, #tpu.memory_space<hbm>>, %arg6: memref<10240x128xf32, #tpu.memory_space<hbm>>, %arg7: memref<640x128xf32, #tpu.memory_space<hbm>>, %arg8: memref<2x10240x128xf32, #tpu.memory_space<hbm>>, %arg9: memref<102x128xi32, #tpu.memory_space<vmem>>, %arg10: memref<102x128xi32, #tpu.memory_space<vmem>>, %arg11: memref<128x128xf32, #tpu.memory_space<vmem>>, %arg12: memref<10240x128xf32, #tpu.memory_space<vmem_shared>>) attributes {dimension_semantics = [#tpu.dimension_semantics<core_parallel>, #tpu.dimension_semantics<subcore_parallel>], iteration_bounds = array<i64: 2, 16>, scalar_prefetch = 0 : i64, scratch_operands = 4 : i64, tpu.core_type = #tpu.core_type<sc_vector_subcore>, window_params = [{transform_indices = #map}, {transform_indices = #map}, {transform_indices = #map}, {transform_indices = #map}, {transform_indices = #map1}, {transform_indices = #map1}, {transform_indices = #map}]} {
    %mul3A = arith.constant 640 : i32
    %mul3A_0 = arith.muli %arg1, %mul3A : i32
    "tpu.region"() ({
      %run_scoped3A = tpu.sem_alloc : memref<!tpu.dma_semaphore, #tpu.memory_space<semaphore_mem>>
      %dma_start3A = arith.constant 0 : i32
      %dma_start3A_25 = tpu.memref_slice %arg12[%mul3A_0, %dma_start3A] : memref<10240x128xf32, #tpu.memory_space<vmem_shared>> -> memref<640x128xf32, #tpu.memory_space<vmem_shared>>
      tpu.enqueue_dma source(%arg7 : memref<640x128xf32, #tpu.memory_space<hbm>>) target(%dma_start3A_25 : memref<640x128xf32, #tpu.memory_space<vmem_shared>>) target_semaphore(%run_scoped3A : memref<!tpu.dma_semaphore, #tpu.memory_space<semaphore_mem>>)
      %dma_wait3A = arith.constant 0 : i32
      %dma_wait3A_26 = tpu.memref_slice %arg12[%mul3A_0, %dma_wait3A] : memref<10240x128xf32, #tpu.memory_space<vmem_shared>> -> memref<640x128xf32, #tpu.memory_space<vmem_shared>>
      tpu.wait_dma2 semaphore(%run_scoped3A : memref<!tpu.dma_semaphore, #tpu.memory_space<semaphore_mem>>) src(%arg7 : memref<640x128xf32, #tpu.memory_space<hbm>>) dst(%dma_wait3A_26 : memref<640x128xf32, #tpu.memory_space<vmem_shared>>)
      tpu.yield
    }) : () -> ()
    %eq3A = arith.constant 0 : i32
    %eq3A_1 = arith.cmpi eq, %arg0, %eq3A : i32
    %convert_element_type3A = arith.extui %eq3A_1 : i1 to i32
    %cond3A = arith.constant 0 : i32
    %cond3A_2 = arith.cmpi ne, %convert_element_type3A, %cond3A : i32
    scf.if %cond3A_2 {
      "tpu.region"() ({
        %run_scoped3A = tpu.sem_alloc : memref<!tpu.dma_semaphore, #tpu.memory_space<semaphore_mem>>
        %dma_start3A = arith.constant 0 : i32
        %dma_start3A_25 = arith.constant 0 : i32
        %dma_start3A_26 = tpu.memref_slice %arg2[%arg1, %dma_start3A, %dma_start3A_25] : memref<16x102x128xi32, #tpu.memory_space<hbm>> -> memref<1x102x128xi32, #tpu.memory_space<hbm>>
        %dma_start3A_27 = tpu.memref_squeeze %dma_start3A_26 : memref<1x102x128xi32, #tpu.memory_space<hbm>> -> memref<102x128xi32, #tpu.memory_space<hbm>>
        %dma_start3A_28 = arith.constant 0 : i32
        %dma_start3A_29 = arith.constant 0 : i32
        %dma_start3A_30 = tpu.memref_slice %arg2[%arg1, %dma_start3A_28, %dma_start3A_29] : memref<16x102x128xi32, #tpu.memory_space<hbm>> -> memref<1x102x128xi32, #tpu.memory_space<hbm>>
        %dma_start3A_31 = tpu.memref_squeeze %dma_start3A_30 : memref<1x102x128xi32, #tpu.memory_space<hbm>> -> memref<102x128xi32, #tpu.memory_space<hbm>>
        tpu.enqueue_dma source(%dma_start3A_31 : memref<102x128xi32, #tpu.memory_space<hbm>>) target(%arg9 : memref<102x128xi32, #tpu.memory_space<vmem>>) target_semaphore(%run_scoped3A : memref<!tpu.dma_semaphore, #tpu.memory_space<semaphore_mem>>)
        %dma_wait3A = arith.constant 0 : i32
        %dma_wait3A_32 = arith.constant 0 : i32
        %dma_wait3A_33 = tpu.memref_slice %arg2[%arg1, %dma_wait3A, %dma_wait3A_32] : memref<16x102x128xi32, #tpu.memory_space<hbm>> -> memref<1x102x128xi32, #tpu.memory_space<hbm>>
        %dma_wait3A_34 = tpu.memref_squeeze %dma_wait3A_33 : memref<1x102x128xi32, #tpu.memory_space<hbm>> -> memref<102x128xi32, #tpu.memory_space<hbm>>
        %dma_wait3A_35 = arith.constant 0 : i32
        %dma_wait3A_36 = arith.constant 0 : i32
        %dma_wait3A_37 = tpu.memref_slice %arg2[%arg1, %dma_wait3A_35, %dma_wait3A_36] : memref<16x102x128xi32, #tpu.memory_space<hbm>> -> memref<1x102x128xi32, #tpu.memory_space<hbm>>
        %dma_wait3A_38 = tpu.memref_squeeze %dma_wait3A_37 : memref<1x102x128xi32, #tpu.memory_space<hbm>> -> memref<102x128xi32, #tpu.memory_space<hbm>>
        tpu.wait_dma2 semaphore(%run_scoped3A : memref<!tpu.dma_semaphore, #tpu.memory_space<semaphore_mem>>) src(%dma_wait3A_38 : memref<102x128xi32, #tpu.memory_space<hbm>>) dst(%arg9 : memref<102x128xi32, #tpu.memory_space<vmem>>)
        tpu.yield
      }) : () -> ()
      "tpu.region"() ({
        %run_scoped3A = tpu.sem_alloc : memref<!tpu.dma_semaphore, #tpu.memory_space<semaphore_mem>>
        %dma_start3A = arith.constant 0 : i32
        %dma_start3A_25 = arith.constant 0 : i32
        %dma_start3A_26 = tpu.memref_slice %arg3[%arg1, %dma_start3A, %dma_start3A_25] : memref<16x102x128xi32, #tpu.memory_space<hbm>> -> memref<1x102x128xi32, #tpu.memory_space<hbm>>
        %dma_start3A_27 = tpu.memref_squeeze %dma_start3A_26 : memref<1x102x128xi32, #tpu.memory_space<hbm>> -> memref<102x128xi32, #tpu.memory_space<hbm>>
        %dma_start3A_28 = arith.constant 0 : i32
        %dma_start3A_29 = arith.constant 0 : i32
        %dma_start3A_30 = tpu.memref_slice %arg3[%arg1, %dma_start3A_28, %dma_start3A_29] : memref<16x102x128xi32, #tpu.memory_space<hbm>> -> memref<1x102x128xi32, #tpu.memory_space<hbm>>
        %dma_start3A_31 = tpu.memref_squeeze %dma_start3A_30 : memref<1x102x128xi32, #tpu.memory_space<hbm>> -> memref<102x128xi32, #tpu.memory_space<hbm>>
        tpu.enqueue_dma source(%dma_start3A_31 : memref<102x128xi32, #tpu.memory_space<hbm>>) target(%arg10 : memref<102x128xi32, #tpu.memory_space<vmem>>) target_semaphore(%run_scoped3A : memref<!tpu.dma_semaphore, #tpu.memory_space<semaphore_mem>>)
        %dma_wait3A = arith.constant 0 : i32
        %dma_wait3A_32 = arith.constant 0 : i32
        %dma_wait3A_33 = tpu.memref_slice %arg3[%arg1, %dma_wait3A, %dma_wait3A_32] : memref<16x102x128xi32, #tpu.memory_space<hbm>> -> memref<1x102x128xi32, #tpu.memory_space<hbm>>
        %dma_wait3A_34 = tpu.memref_squeeze %dma_wait3A_33 : memref<1x102x128xi32, #tpu.memory_space<hbm>> -> memref<102x128xi32, #tpu.memory_space<hbm>>
        %dma_wait3A_35 = arith.constant 0 : i32
        %dma_wait3A_36 = arith.constant 0 : i32
        %dma_wait3A_37 = tpu.memref_slice %arg3[%arg1, %dma_wait3A_35, %dma_wait3A_36] : memref<16x102x128xi32, #tpu.memory_space<hbm>> -> memref<1x102x128xi32, #tpu.memory_space<hbm>>
        %dma_wait3A_38 = tpu.memref_squeeze %dma_wait3A_37 : memref<1x102x128xi32, #tpu.memory_space<hbm>> -> memref<102x128xi32, #tpu.memory_space<hbm>>
        tpu.wait_dma2 semaphore(%run_scoped3A : memref<!tpu.dma_semaphore, #tpu.memory_space<semaphore_mem>>) src(%dma_wait3A_38 : memref<102x128xi32, #tpu.memory_space<hbm>>) dst(%arg10 : memref<102x128xi32, #tpu.memory_space<vmem>>)
        tpu.yield
      }) : () -> ()
    } else {
    }
    %eq3A_3 = arith.constant 1 : i32
    %eq3A_4 = arith.cmpi eq, %arg0, %eq3A_3 : i32
    %convert_element_type3A_5 = arith.extui %eq3A_4 : i1 to i32
    %cond3A_6 = arith.constant 0 : i32
    %cond3A_7 = arith.cmpi ne, %convert_element_type3A_5, %cond3A_6 : i32
    scf.if %cond3A_7 {
      "tpu.region"() ({
        %run_scoped3A = tpu.sem_alloc : memref<!tpu.dma_semaphore, #tpu.memory_space<semaphore_mem>>
        %dma_start3A = arith.constant 0 : i32
        %dma_start3A_25 = arith.constant 0 : i32
        %dma_start3A_26 = tpu.memref_slice %arg9[%dma_start3A, %dma_start3A_25] : memref<102x128xi32, #tpu.memory_space<vmem>> -> memref<56x128xi32, #tpu.memory_space<vmem>>
        %dma_start3A_27 = arith.constant 0 : i32
        %dma_start3A_28 = arith.constant 0 : i32
        %dma_start3A_29 = tpu.memref_slice %arg4[%arg1, %dma_start3A_27, %dma_start3A_28] : memref<16x56x128xi32, #tpu.memory_space<hbm>> -> memref<1x56x128xi32, #tpu.memory_space<hbm>>
        %dma_start3A_30 = tpu.memref_squeeze %dma_start3A_29 : memref<1x56x128xi32, #tpu.memory_space<hbm>> -> memref<56x128xi32, #tpu.memory_space<hbm>>
        %dma_start3A_31 = arith.constant 0 : i32
        %dma_start3A_32 = arith.constant 0 : i32
        %dma_start3A_33 = tpu.memref_slice %arg9[%dma_start3A_31, %dma_start3A_32] : memref<102x128xi32, #tpu.memory_space<vmem>> -> memref<56x128xi32, #tpu.memory_space<vmem>>
        %dma_start3A_34 = arith.constant 0 : i32
        %dma_start3A_35 = arith.constant 0 : i32
        %dma_start3A_36 = tpu.memref_slice %arg4[%arg1, %dma_start3A_34, %dma_start3A_35] : memref<16x56x128xi32, #tpu.memory_space<hbm>> -> memref<1x56x128xi32, #tpu.memory_space<hbm>>
        %dma_start3A_37 = tpu.memref_squeeze %dma_start3A_36 : memref<1x56x128xi32, #tpu.memory_space<hbm>> -> memref<56x128xi32, #tpu.memory_space<hbm>>
        tpu.enqueue_dma source(%dma_start3A_37 : memref<56x128xi32, #tpu.memory_space<hbm>>) target(%dma_start3A_33 : memref<56x128xi32, #tpu.memory_space<vmem>>) target_semaphore(%run_scoped3A : memref<!tpu.dma_semaphore, #tpu.memory_space<semaphore_mem>>)
        %dma_wait3A = arith.constant 0 : i32
        %dma_wait3A_38 = arith.constant 0 : i32
        %dma_wait3A_39 = tpu.memref_slice %arg9[%dma_wait3A, %dma_wait3A_38] : memref<102x128xi32, #tpu.memory_space<vmem>> -> memref<56x128xi32, #tpu.memory_space<vmem>>
        %dma_wait3A_40 = arith.constant 0 : i32
        %dma_wait3A_41 = arith.constant 0 : i32
        %dma_wait3A_42 = tpu.memref_slice %arg4[%arg1, %dma_wait3A_40, %dma_wait3A_41] : memref<16x56x128xi32, #tpu.memory_space<hbm>> -> memref<1x56x128xi32, #tpu.memory_space<hbm>>
        %dma_wait3A_43 = tpu.memref_squeeze %dma_wait3A_42 : memref<1x56x128xi32, #tpu.memory_space<hbm>> -> memref<56x128xi32, #tpu.memory_space<hbm>>
        %dma_wait3A_44 = arith.constant 0 : i32
        %dma_wait3A_45 = arith.constant 0 : i32
        %dma_wait3A_46 = tpu.memref_slice %arg9[%dma_wait3A_44, %dma_wait3A_45] : memref<102x128xi32, #tpu.memory_space<vmem>> -> memref<56x128xi32, #tpu.memory_space<vmem>>
        %dma_wait3A_47 = arith.constant 0 : i32
        %dma_wait3A_48 = arith.constant 0 : i32
        %dma_wait3A_49 = tpu.memref_slice %arg4[%arg1, %dma_wait3A_47, %dma_wait3A_48] : memref<16x56x128xi32, #tpu.memory_space<hbm>> -> memref<1x56x128xi32, #tpu.memory_space<hbm>>
        %dma_wait3A_50 = tpu.memref_squeeze %dma_wait3A_49 : memref<1x56x128xi32, #tpu.memory_space<hbm>> -> memref<56x128xi32, #tpu.memory_space<hbm>>
        tpu.wait_dma2 semaphore(%run_scoped3A : memref<!tpu.dma_semaphore, #tpu.memory_space<semaphore_mem>>) src(%dma_wait3A_50 : memref<56x128xi32, #tpu.memory_space<hbm>>) dst(%dma_wait3A_46 : memref<56x128xi32, #tpu.memory_space<vmem>>)
        tpu.yield
      }) : () -> ()
      "tpu.region"() ({
        %run_scoped3A = tpu.sem_alloc : memref<!tpu.dma_semaphore, #tpu.memory_space<semaphore_mem>>
        %dma_start3A = arith.constant 0 : i32
        %dma_start3A_25 = arith.constant 0 : i32
        %dma_start3A_26 = tpu.memref_slice %arg10[%dma_start3A, %dma_start3A_25] : memref<102x128xi32, #tpu.memory_space<vmem>> -> memref<56x128xi32, #tpu.memory_space<vmem>>
        %dma_start3A_27 = arith.constant 0 : i32
        %dma_start3A_28 = arith.constant 0 : i32
        %dma_start3A_29 = tpu.memref_slice %arg5[%arg1, %dma_start3A_27, %dma_start3A_28] : memref<16x56x128xi32, #tpu.memory_space<hbm>> -> memref<1x56x128xi32, #tpu.memory_space<hbm>>
        %dma_start3A_30 = tpu.memref_squeeze %dma_start3A_29 : memref<1x56x128xi32, #tpu.memory_space<hbm>> -> memref<56x128xi32, #tpu.memory_space<hbm>>
        %dma_start3A_31 = arith.constant 0 : i32
        %dma_start3A_32 = arith.constant 0 : i32
        %dma_start3A_33 = tpu.memref_slice %arg10[%dma_start3A_31, %dma_start3A_32] : memref<102x128xi32, #tpu.memory_space<vmem>> -> memref<56x128xi32, #tpu.memory_space<vmem>>
        %dma_start3A_34 = arith.constant 0 : i32
        %dma_start3A_35 = arith.constant 0 : i32
        %dma_start3A_36 = tpu.memref_slice %arg5[%arg1, %dma_start3A_34, %dma_start3A_35] : memref<16x56x128xi32, #tpu.memory_space<hbm>> -> memref<1x56x128xi32, #tpu.memory_space<hbm>>
        %dma_start3A_37 = tpu.memref_squeeze %dma_start3A_36 : memref<1x56x128xi32, #tpu.memory_space<hbm>> -> memref<56x128xi32, #tpu.memory_space<hbm>>
        tpu.enqueue_dma source(%dma_start3A_37 : memref<56x128xi32, #tpu.memory_space<hbm>>) target(%dma_start3A_33 : memref<56x128xi32, #tpu.memory_space<vmem>>) target_semaphore(%run_scoped3A : memref<!tpu.dma_semaphore, #tpu.memory_space<semaphore_mem>>)
        %dma_wait3A = arith.constant 0 : i32
        %dma_wait3A_38 = arith.constant 0 : i32
        %dma_wait3A_39 = tpu.memref_slice %arg10[%dma_wait3A, %dma_wait3A_38] : memref<102x128xi32, #tpu.memory_space<vmem>> -> memref<56x128xi32, #tpu.memory_space<vmem>>
        %dma_wait3A_40 = arith.constant 0 : i32
        %dma_wait3A_41 = arith.constant 0 : i32
        %dma_wait3A_42 = tpu.memref_slice %arg5[%arg1, %dma_wait3A_40, %dma_wait3A_41] : memref<16x56x128xi32, #tpu.memory_space<hbm>> -> memref<1x56x128xi32, #tpu.memory_space<hbm>>
        %dma_wait3A_43 = tpu.memref_squeeze %dma_wait3A_42 : memref<1x56x128xi32, #tpu.memory_space<hbm>> -> memref<56x128xi32, #tpu.memory_space<hbm>>
        %dma_wait3A_44 = arith.constant 0 : i32
        %dma_wait3A_45 = arith.constant 0 : i32
        %dma_wait3A_46 = tpu.memref_slice %arg10[%dma_wait3A_44, %dma_wait3A_45] : memref<102x128xi32, #tpu.memory_space<vmem>> -> memref<56x128xi32, #tpu.memory_space<vmem>>
        %dma_wait3A_47 = arith.constant 0 : i32
        %dma_wait3A_48 = arith.constant 0 : i32
        %dma_wait3A_49 = tpu.memref_slice %arg5[%arg1, %dma_wait3A_47, %dma_wait3A_48] : memref<16x56x128xi32, #tpu.memory_space<hbm>> -> memref<1x56x128xi32, #tpu.memory_space<hbm>>
        %dma_wait3A_50 = tpu.memref_squeeze %dma_wait3A_49 : memref<1x56x128xi32, #tpu.memory_space<hbm>> -> memref<56x128xi32, #tpu.memory_space<hbm>>
        tpu.wait_dma2 semaphore(%run_scoped3A : memref<!tpu.dma_semaphore, #tpu.memory_space<semaphore_mem>>) src(%dma_wait3A_50 : memref<56x128xi32, #tpu.memory_space<hbm>>) dst(%dma_wait3A_46 : memref<56x128xi32, #tpu.memory_space<vmem>>)
        tpu.yield
      }) : () -> ()
    } else {
    }
    %barrier3A = arith.constant 0 : index
    tpu.barrier barrier_id(%barrier3A)
    %eq3A_8 = arith.constant 0 : i32
    %eq3A_9 = arith.cmpi eq, %arg0, %eq3A_8 : i32
    %jit3A = arith.constant 102 : i32
    %jit3A_10 = arith.constant 56 : i32
    %select_n3A = arith.select %eq3A_9, %jit3A, %jit3A_10 : i32
    %while3A = arith.constant 0 : i32
    %while3A_11 = arith.constant 0 : i32
    %while3A_12 = arith.subi %select_n3A, %while3A_11 : i32
    %while3A_13 = arith.addi %while3A_11, %while3A_12 : i32
    %while3A_14 = arith.constant 1 : i32
    %while3A_15 = arith.divsi %while3A_12, %while3A_14 : i32
    %while3A_16 = arith.muli %while3A_15, %while3A_14 : i32
    %while3A_17 = arith.addi %while3A_11, %while3A_16 : i32
    %while3A_18 = arith.constant 1 : i32
    scf.for %while3A_25 = %while3A_11 to %while3A_17 step %while3A_18  : i32 {
      "tpu.region"() ({
        %run_scoped3A = tpu.sem_alloc : memref<!tpu.dma_semaphore, #tpu.memory_space<semaphore_mem>>
        %dma_start3A = arith.constant 0 : i32
        %dma_start3A_26 = tpu.memref_slice %arg9[%while3A_25, %dma_start3A] : memref<102x128xi32, #tpu.memory_space<vmem>> -> memref<1x128xi32, #tpu.memory_space<vmem>>
        %dma_start3A_27 = tpu.memref_squeeze %dma_start3A_26 : memref<1x128xi32, #tpu.memory_space<vmem>> -> memref<128xi32, #tpu.memory_space<vmem>>
        %dma_start3A_28 = arith.constant 0 : i32
        %dma_start3A_29 = arith.constant 0 : i32
        %dma_start3A_30 = tpu.memref_slice %arg6[%dma_start3A_28, %dma_start3A_29] : memref<10240x128xf32, #tpu.memory_space<hbm>> -> memref<10240x128xf32, #tpu.memory_space<hbm>>
        tpu.enqueue_indirect_dma source(%dma_start3A_30 : memref<10240x128xf32, #tpu.memory_space<hbm>>) target(%arg11 : memref<128x128xf32, #tpu.memory_space<vmem>>) offsets(%dma_start3A_27 : memref<128xi32, #tpu.memory_space<vmem>>) semaphore(%run_scoped3A : memref<!tpu.dma_semaphore, #tpu.memory_space<semaphore_mem>>)
        %dma_wait3A = arith.constant 0 : i32
        %dma_wait3A_31 = tpu.memref_slice %arg9[%while3A_25, %dma_wait3A] : memref<102x128xi32, #tpu.memory_space<vmem>> -> memref<1x128xi32, #tpu.memory_space<vmem>>
        %dma_wait3A_32 = tpu.memref_squeeze %dma_wait3A_31 : memref<1x128xi32, #tpu.memory_space<vmem>> -> memref<128xi32, #tpu.memory_space<vmem>>
        %dma_wait3A_33 = arith.constant 0 : i32
        %dma_wait3A_34 = arith.constant 0 : i32
        %dma_wait3A_35 = tpu.memref_slice %arg6[%dma_wait3A_33, %dma_wait3A_34] : memref<10240x128xf32, #tpu.memory_space<hbm>> -> memref<10240x128xf32, #tpu.memory_space<hbm>>
        tpu.wait_indirect_dma semaphore(%run_scoped3A : memref<!tpu.dma_semaphore, #tpu.memory_space<semaphore_mem>>) src(%dma_wait3A_35 : memref<10240x128xf32, #tpu.memory_space<hbm>>) dst(%arg11 : memref<128x128xf32, #tpu.memory_space<vmem>>)
        tpu.yield
      }) : () -> ()
      "tpu.region"() ({
        %run_scoped3A = tpu.sem_alloc : memref<!tpu.dma_semaphore, #tpu.memory_space<semaphore_mem>>
        %dma_start3A = arith.constant 0 : i32
        %dma_start3A_26 = tpu.memref_slice %arg10[%while3A_25, %dma_start3A] : memref<102x128xi32, #tpu.memory_space<vmem>> -> memref<1x128xi32, #tpu.memory_space<vmem>>
        %dma_start3A_27 = tpu.memref_squeeze %dma_start3A_26 : memref<1x128xi32, #tpu.memory_space<vmem>> -> memref<128xi32, #tpu.memory_space<vmem>>
        %dma_start3A_28 = arith.constant 0 : i32
        %dma_start3A_29 = arith.constant 0 : i32
        %dma_start3A_30 = tpu.memref_slice %arg12[%dma_start3A_28, %dma_start3A_29] : memref<10240x128xf32, #tpu.memory_space<vmem_shared>> -> memref<10240x128xf32, #tpu.memory_space<vmem_shared>>
        tpu.enqueue_indirect_dma source(%arg11 : memref<128x128xf32, #tpu.memory_space<vmem>>) target(%dma_start3A_30 : memref<10240x128xf32, #tpu.memory_space<vmem_shared>>) offsets(%dma_start3A_27 : memref<128xi32, #tpu.memory_space<vmem>>) semaphore(%run_scoped3A : memref<!tpu.dma_semaphore, #tpu.memory_space<semaphore_mem>>) {add = true}
        %dma_wait3A = arith.constant 0 : i32
        %dma_wait3A_31 = tpu.memref_slice %arg10[%while3A_25, %dma_wait3A] : memref<102x128xi32, #tpu.memory_space<vmem>> -> memref<1x128xi32, #tpu.memory_space<vmem>>
        %dma_wait3A_32 = tpu.memref_squeeze %dma_wait3A_31 : memref<1x128xi32, #tpu.memory_space<vmem>> -> memref<128xi32, #tpu.memory_space<vmem>>
        %dma_wait3A_33 = arith.constant 0 : i32
        %dma_wait3A_34 = arith.constant 0 : i32
        %dma_wait3A_35 = tpu.memref_slice %arg12[%dma_wait3A_33, %dma_wait3A_34] : memref<10240x128xf32, #tpu.memory_space<vmem_shared>> -> memref<10240x128xf32, #tpu.memory_space<vmem_shared>>
        tpu.wait_indirect_dma semaphore(%run_scoped3A : memref<!tpu.dma_semaphore, #tpu.memory_space<semaphore_mem>>) src(%arg11 : memref<128x128xf32, #tpu.memory_space<vmem>>) dst(%dma_wait3A_35 : memref<10240x128xf32, #tpu.memory_space<vmem_shared>>)
        tpu.yield
      }) : () -> ()
    }
    %while3A_19 = arith.constant 1 : i32
    scf.for %while3A_25 = %while3A_17 to %while3A_13 step %while3A_19  : i32 {
      "tpu.region"() ({
        %run_scoped3A = tpu.sem_alloc : memref<!tpu.dma_semaphore, #tpu.memory_space<semaphore_mem>>
        %dma_start3A = arith.constant 0 : i32
        %dma_start3A_26 = tpu.memref_slice %arg9[%while3A_25, %dma_start3A] : memref<102x128xi32, #tpu.memory_space<vmem>> -> memref<1x128xi32, #tpu.memory_space<vmem>>
        %dma_start3A_27 = tpu.memref_squeeze %dma_start3A_26 : memref<1x128xi32, #tpu.memory_space<vmem>> -> memref<128xi32, #tpu.memory_space<vmem>>
        %dma_start3A_28 = arith.constant 0 : i32
        %dma_start3A_29 = arith.constant 0 : i32
        %dma_start3A_30 = tpu.memref_slice %arg6[%dma_start3A_28, %dma_start3A_29] : memref<10240x128xf32, #tpu.memory_space<hbm>> -> memref<10240x128xf32, #tpu.memory_space<hbm>>
        tpu.enqueue_indirect_dma source(%dma_start3A_30 : memref<10240x128xf32, #tpu.memory_space<hbm>>) target(%arg11 : memref<128x128xf32, #tpu.memory_space<vmem>>) offsets(%dma_start3A_27 : memref<128xi32, #tpu.memory_space<vmem>>) semaphore(%run_scoped3A : memref<!tpu.dma_semaphore, #tpu.memory_space<semaphore_mem>>)
        %dma_wait3A = arith.constant 0 : i32
        %dma_wait3A_31 = tpu.memref_slice %arg9[%while3A_25, %dma_wait3A] : memref<102x128xi32, #tpu.memory_space<vmem>> -> memref<1x128xi32, #tpu.memory_space<vmem>>
        %dma_wait3A_32 = tpu.memref_squeeze %dma_wait3A_31 : memref<1x128xi32, #tpu.memory_space<vmem>> -> memref<128xi32, #tpu.memory_space<vmem>>
        %dma_wait3A_33 = arith.constant 0 : i32
        %dma_wait3A_34 = arith.constant 0 : i32
        %dma_wait3A_35 = tpu.memref_slice %arg6[%dma_wait3A_33, %dma_wait3A_34] : memref<10240x128xf32, #tpu.memory_space<hbm>> -> memref<10240x128xf32, #tpu.memory_space<hbm>>
        tpu.wait_indirect_dma semaphore(%run_scoped3A : memref<!tpu.dma_semaphore, #tpu.memory_space<semaphore_mem>>) src(%dma_wait3A_35 : memref<10240x128xf32, #tpu.memory_space<hbm>>) dst(%arg11 : memref<128x128xf32, #tpu.memory_space<vmem>>)
        tpu.yield
      }) : () -> ()
      "tpu.region"() ({
        %run_scoped3A = tpu.sem_alloc : memref<!tpu.dma_semaphore, #tpu.memory_space<semaphore_mem>>
        %dma_start3A = arith.constant 0 : i32
        %dma_start3A_26 = tpu.memref_slice %arg10[%while3A_25, %dma_start3A] : memref<102x128xi32, #tpu.memory_space<vmem>> -> memref<1x128xi32, #tpu.memory_space<vmem>>
        %dma_start3A_27 = tpu.memref_squeeze %dma_start3A_26 : memref<1x128xi32, #tpu.memory_space<vmem>> -> memref<128xi32, #tpu.memory_space<vmem>>
        %dma_start3A_28 = arith.constant 0 : i32
        %dma_start3A_29 = arith.constant 0 : i32
        %dma_start3A_30 = tpu.memref_slice %arg12[%dma_start3A_28, %dma_start3A_29] : memref<10240x128xf32, #tpu.memory_space<vmem_shared>> -> memref<10240x128xf32, #tpu.memory_space<vmem_shared>>
        tpu.enqueue_indirect_dma source(%arg11 : memref<128x128xf32, #tpu.memory_space<vmem>>) target(%dma_start3A_30 : memref<10240x128xf32, #tpu.memory_space<vmem_shared>>) offsets(%dma_start3A_27 : memref<128xi32, #tpu.memory_space<vmem>>) semaphore(%run_scoped3A : memref<!tpu.dma_semaphore, #tpu.memory_space<semaphore_mem>>) {add = true}
        %dma_wait3A = arith.constant 0 : i32
        %dma_wait3A_31 = tpu.memref_slice %arg10[%while3A_25, %dma_wait3A] : memref<102x128xi32, #tpu.memory_space<vmem>> -> memref<1x128xi32, #tpu.memory_space<vmem>>
        %dma_wait3A_32 = tpu.memref_squeeze %dma_wait3A_31 : memref<1x128xi32, #tpu.memory_space<vmem>> -> memref<128xi32, #tpu.memory_space<vmem>>
        %dma_wait3A_33 = arith.constant 0 : i32
        %dma_wait3A_34 = arith.constant 0 : i32
        %dma_wait3A_35 = tpu.memref_slice %arg12[%dma_wait3A_33, %dma_wait3A_34] : memref<10240x128xf32, #tpu.memory_space<vmem_shared>> -> memref<10240x128xf32, #tpu.memory_space<vmem_shared>>
        tpu.wait_indirect_dma semaphore(%run_scoped3A : memref<!tpu.dma_semaphore, #tpu.memory_space<semaphore_mem>>) src(%arg11 : memref<128x128xf32, #tpu.memory_space<vmem>>) dst(%dma_wait3A_35 : memref<10240x128xf32, #tpu.memory_space<vmem_shared>>)
        tpu.yield
      }) : () -> ()
    }
    %barrier3A_20 = arith.constant 0 : index
    tpu.barrier barrier_id(%barrier3A_20)
    %mul3A_21 = arith.constant 640 : i32
    %mul3A_22 = arith.muli %arg1, %mul3A_21 : i32
    %mul3A_23 = arith.constant 640 : i32
    %mul3A_24 = arith.muli %arg1, %mul3A_23 : i32
    "tpu.region"() ({
      %run_scoped3A = tpu.sem_alloc : memref<!tpu.dma_semaphore, #tpu.memory_space<semaphore_mem>>
      %dma_start3A = arith.constant 0 : i32
      %dma_start3A_25 = tpu.memref_slice %arg8[%arg0, %mul3A_24, %dma_start3A] : memref<2x10240x128xf32, #tpu.memory_space<hbm>> -> memref<1x640x128xf32, #tpu.memory_space<hbm>>
      %dma_start3A_26 = tpu.memref_squeeze %dma_start3A_25 : memref<1x640x128xf32, #tpu.memory_space<hbm>> -> memref<640x128xf32, #tpu.memory_space<hbm>>
      %dma_start3A_27 = arith.constant 0 : i32
      %dma_start3A_28 = tpu.memref_slice %arg12[%mul3A_22, %dma_start3A_27] : memref<10240x128xf32, #tpu.memory_space<vmem_shared>> -> memref<640x128xf32, #tpu.memory_space<vmem_shared>>
      tpu.enqueue_dma source(%dma_start3A_28 : memref<640x128xf32, #tpu.memory_space<vmem_shared>>) target(%dma_start3A_26 : memref<640x128xf32, #tpu.memory_space<hbm>>) target_semaphore(%run_scoped3A : memref<!tpu.dma_semaphore, #tpu.memory_space<semaphore_mem>>)
      %dma_wait3A = arith.constant 0 : i32
      %dma_wait3A_29 = tpu.memref_slice %arg8[%arg0, %mul3A_24, %dma_wait3A] : memref<2x10240x128xf32, #tpu.memory_space<hbm>> -> memref<1x640x128xf32, #tpu.memory_space<hbm>>
      %dma_wait3A_30 = tpu.memref_squeeze %dma_wait3A_29 : memref<1x640x128xf32, #tpu.memory_space<hbm>> -> memref<640x128xf32, #tpu.memory_space<hbm>>
      %dma_wait3A_31 = arith.constant 0 : i32
      %dma_wait3A_32 = tpu.memref_slice %arg12[%mul3A_22, %dma_wait3A_31] : memref<10240x128xf32, #tpu.memory_space<vmem_shared>> -> memref<640x128xf32, #tpu.memory_space<vmem_shared>>
      tpu.wait_dma2 semaphore(%run_scoped3A : memref<!tpu.dma_semaphore, #tpu.memory_space<semaphore_mem>>) src(%dma_wait3A_32 : memref<640x128xf32, #tpu.memory_space<vmem_shared>>) dst(%dma_wait3A_30 : memref<640x128xf32, #tpu.memory_space<hbm>>)
      tpu.yield
    }) : () -> ()
    return
  }
}

#map = affine_map<(d0, d1) -> (0, 0, 0)>
#map1 = affine_map<(d0, d1) -> (0, 0)>
module attributes {stable_mosaic.version = 14 : i64} {
  func.func @_sc_agg(%arg0: i32, %arg1: i32, %arg2: memref<16x102x128xi32, #tpu.memory_space<hbm>>, %arg3: memref<16x102x128xi32, #tpu.memory_space<hbm>>, %arg4: memref<16x56x128xi32, #tpu.memory_space<hbm>>, %arg5: memref<16x56x128xi32, #tpu.memory_space<hbm>>, %arg6: memref<10240x128xf32, #tpu.memory_space<hbm>>, %arg7: memref<640x128xf32, #tpu.memory_space<hbm>>, %arg8: memref<2x10240x128xf32, #tpu.memory_space<hbm>>, %arg9: memref<102x128xi32, #tpu.memory_space<vmem>>, %arg10: memref<102x128xi32, #tpu.memory_space<vmem>>, %arg11: memref<128x128xf32, #tpu.memory_space<vmem>>, %arg12: memref<10240x128xf32, #tpu.memory_space<vmem_shared>>) attributes {dimension_semantics = [#tpu.dimension_semantics<core_parallel>, #tpu.dimension_semantics<subcore_parallel>], iteration_bounds = array<i64: 2, 16>, scalar_prefetch = 0 : i64, scratch_operands = 4 : i64, tpu.core_type = #tpu.core_type<sc_vector_subcore>, window_params = [{transform_indices = #map}, {transform_indices = #map}, {transform_indices = #map}, {transform_indices = #map}, {transform_indices = #map1}, {transform_indices = #map1}, {transform_indices = #map}]} {
    %mul3A = arith.constant 640 : i32
    %mul3A_0 = arith.muli %arg1, %mul3A : i32
    "tpu.region"() ({
      %run_scoped3A = tpu.sem_alloc : memref<!tpu.dma_semaphore, #tpu.memory_space<semaphore_mem>>
      %dma_start3A = arith.constant 0 : i32
      %dma_start3A_25 = tpu.memref_slice %arg12[%mul3A_0, %dma_start3A] : memref<10240x128xf32, #tpu.memory_space<vmem_shared>> -> memref<640x128xf32, #tpu.memory_space<vmem_shared>>
      tpu.enqueue_dma source(%arg7 : memref<640x128xf32, #tpu.memory_space<hbm>>) target(%dma_start3A_25 : memref<640x128xf32, #tpu.memory_space<vmem_shared>>) target_semaphore(%run_scoped3A : memref<!tpu.dma_semaphore, #tpu.memory_space<semaphore_mem>>)
      %dma_wait3A = arith.constant 0 : i32
      %dma_wait3A_26 = tpu.memref_slice %arg12[%mul3A_0, %dma_wait3A] : memref<10240x128xf32, #tpu.memory_space<vmem_shared>> -> memref<640x128xf32, #tpu.memory_space<vmem_shared>>
      tpu.wait_dma2 semaphore(%run_scoped3A : memref<!tpu.dma_semaphore, #tpu.memory_space<semaphore_mem>>) src(%arg7 : memref<640x128xf32, #tpu.memory_space<hbm>>) dst(%dma_wait3A_26 : memref<640x128xf32, #tpu.memory_space<vmem_shared>>)
      tpu.yield
    }) : () -> ()
    %eq3A = arith.constant 0 : i32
    %eq3A_1 = arith.cmpi eq, %arg0, %eq3A : i32
    %convert_element_type3A = arith.extui %eq3A_1 : i1 to i32
    %cond3A = arith.constant 0 : i32
    %cond3A_2 = arith.cmpi ne, %convert_element_type3A, %cond3A : i32
    scf.if %cond3A_2 {
      "tpu.region"() ({
        %run_scoped3A = tpu.sem_alloc : memref<!tpu.dma_semaphore, #tpu.memory_space<semaphore_mem>>
        %dma_start3A = arith.constant 0 : i32
        %dma_start3A_25 = arith.constant 0 : i32
        %dma_start3A_26 = tpu.memref_slice %arg2[%arg1, %dma_start3A, %dma_start3A_25] : memref<16x102x128xi32, #tpu.memory_space<hbm>> -> memref<1x102x128xi32, #tpu.memory_space<hbm>>
        %dma_start3A_27 = tpu.memref_squeeze %dma_start3A_26 : memref<1x102x128xi32, #tpu.memory_space<hbm>> -> memref<102x128xi32, #tpu.memory_space<hbm>>
        %dma_start3A_28 = arith.constant 0 : i32
        %dma_start3A_29 = arith.constant 0 : i32
        %dma_start3A_30 = tpu.memref_slice %arg2[%arg1, %dma_start3A_28, %dma_start3A_29] : memref<16x102x128xi32, #tpu.memory_space<hbm>> -> memref<1x102x128xi32, #tpu.memory_space<hbm>>
        %dma_start3A_31 = tpu.memref_squeeze %dma_start3A_30 : memref<1x102x128xi32, #tpu.memory_space<hbm>> -> memref<102x128xi32, #tpu.memory_space<hbm>>
        tpu.enqueue_dma source(%dma_start3A_31 : memref<102x128xi32, #tpu.memory_space<hbm>>) target(%arg9 : memref<102x128xi32, #tpu.memory_space<vmem>>) target_semaphore(%run_scoped3A : memref<!tpu.dma_semaphore, #tpu.memory_space<semaphore_mem>>)
        %dma_wait3A = arith.constant 0 : i32
        %dma_wait3A_32 = arith.constant 0 : i32
        %dma_wait3A_33 = tpu.memref_slice %arg2[%arg1, %dma_wait3A, %dma_wait3A_32] : memref<16x102x128xi32, #tpu.memory_space<hbm>> -> memref<1x102x128xi32, #tpu.memory_space<hbm>>
        %dma_wait3A_34 = tpu.memref_squeeze %dma_wait3A_33 : memref<1x102x128xi32, #tpu.memory_space<hbm>> -> memref<102x128xi32, #tpu.memory_space<hbm>>
        %dma_wait3A_35 = arith.constant 0 : i32
        %dma_wait3A_36 = arith.constant 0 : i32
        %dma_wait3A_37 = tpu.memref_slice %arg2[%arg1, %dma_wait3A_35, %dma_wait3A_36] : memref<16x102x128xi32, #tpu.memory_space<hbm>> -> memref<1x102x128xi32, #tpu.memory_space<hbm>>
        %dma_wait3A_38 = tpu.memref_squeeze %dma_wait3A_37 : memref<1x102x128xi32, #tpu.memory_space<hbm>> -> memref<102x128xi32, #tpu.memory_space<hbm>>
        tpu.wait_dma2 semaphore(%run_scoped3A : memref<!tpu.dma_semaphore, #tpu.memory_space<semaphore_mem>>) src(%dma_wait3A_38 : memref<102x128xi32, #tpu.memory_space<hbm>>) dst(%arg9 : memref<102x128xi32, #tpu.memory_space<vmem>>)
        tpu.yield
      }) : () -> ()
      "tpu.region"() ({
        %run_scoped3A = tpu.sem_alloc : memref<!tpu.dma_semaphore, #tpu.memory_space<semaphore_mem>>
        %dma_start3A = arith.constant 0 : i32
        %dma_start3A_25 = arith.constant 0 : i32
        %dma_start3A_26 = tpu.memref_slice %arg3[%arg1, %dma_start3A, %dma_start3A_25] : memref<16x102x128xi32, #tpu.memory_space<hbm>> -> memref<1x102x128xi32, #tpu.memory_space<hbm>>
        %dma_start3A_27 = tpu.memref_squeeze %dma_start3A_26 : memref<1x102x128xi32, #tpu.memory_space<hbm>> -> memref<102x128xi32, #tpu.memory_space<hbm>>
        %dma_start3A_28 = arith.constant 0 : i32
        %dma_start3A_29 = arith.constant 0 : i32
        %dma_start3A_30 = tpu.memref_slice %arg3[%arg1, %dma_start3A_28, %dma_start3A_29] : memref<16x102x128xi32, #tpu.memory_space<hbm>> -> memref<1x102x128xi32, #tpu.memory_space<hbm>>
        %dma_start3A_31 = tpu.memref_squeeze %dma_start3A_30 : memref<1x102x128xi32, #tpu.memory_space<hbm>> -> memref<102x128xi32, #tpu.memory_space<hbm>>
        tpu.enqueue_dma source(%dma_start3A_31 : memref<102x128xi32, #tpu.memory_space<hbm>>) target(%arg10 : memref<102x128xi32, #tpu.memory_space<vmem>>) target_semaphore(%run_scoped3A : memref<!tpu.dma_semaphore, #tpu.memory_space<semaphore_mem>>)
        %dma_wait3A = arith.constant 0 : i32
        %dma_wait3A_32 = arith.constant 0 : i32
        %dma_wait3A_33 = tpu.memref_slice %arg3[%arg1, %dma_wait3A, %dma_wait3A_32] : memref<16x102x128xi32, #tpu.memory_space<hbm>> -> memref<1x102x128xi32, #tpu.memory_space<hbm>>
        %dma_wait3A_34 = tpu.memref_squeeze %dma_wait3A_33 : memref<1x102x128xi32, #tpu.memory_space<hbm>> -> memref<102x128xi32, #tpu.memory_space<hbm>>
        %dma_wait3A_35 = arith.constant 0 : i32
        %dma_wait3A_36 = arith.constant 0 : i32
        %dma_wait3A_37 = tpu.memref_slice %arg3[%arg1, %dma_wait3A_35, %dma_wait3A_36] : memref<16x102x128xi32, #tpu.memory_space<hbm>> -> memref<1x102x128xi32, #tpu.memory_space<hbm>>
        %dma_wait3A_38 = tpu.memref_squeeze %dma_wait3A_37 : memref<1x102x128xi32, #tpu.memory_space<hbm>> -> memref<102x128xi32, #tpu.memory_space<hbm>>
        tpu.wait_dma2 semaphore(%run_scoped3A : memref<!tpu.dma_semaphore, #tpu.memory_space<semaphore_mem>>) src(%dma_wait3A_38 : memref<102x128xi32, #tpu.memory_space<hbm>>) dst(%arg10 : memref<102x128xi32, #tpu.memory_space<vmem>>)
        tpu.yield
      }) : () -> ()
    } else {
    }
    %eq3A_3 = arith.constant 1 : i32
    %eq3A_4 = arith.cmpi eq, %arg0, %eq3A_3 : i32
    %convert_element_type3A_5 = arith.extui %eq3A_4 : i1 to i32
    %cond3A_6 = arith.constant 0 : i32
    %cond3A_7 = arith.cmpi ne, %convert_element_type3A_5, %cond3A_6 : i32
    scf.if %cond3A_7 {
      "tpu.region"() ({
        %run_scoped3A = tpu.sem_alloc : memref<!tpu.dma_semaphore, #tpu.memory_space<semaphore_mem>>
        %dma_start3A = arith.constant 0 : i32
        %dma_start3A_25 = arith.constant 0 : i32
        %dma_start3A_26 = tpu.memref_slice %arg9[%dma_start3A, %dma_start3A_25] : memref<102x128xi32, #tpu.memory_space<vmem>> -> memref<56x128xi32, #tpu.memory_space<vmem>>
        %dma_start3A_27 = arith.constant 0 : i32
        %dma_start3A_28 = arith.constant 0 : i32
        %dma_start3A_29 = tpu.memref_slice %arg4[%arg1, %dma_start3A_27, %dma_start3A_28] : memref<16x56x128xi32, #tpu.memory_space<hbm>> -> memref<1x56x128xi32, #tpu.memory_space<hbm>>
        %dma_start3A_30 = tpu.memref_squeeze %dma_start3A_29 : memref<1x56x128xi32, #tpu.memory_space<hbm>> -> memref<56x128xi32, #tpu.memory_space<hbm>>
        %dma_start3A_31 = arith.constant 0 : i32
        %dma_start3A_32 = arith.constant 0 : i32
        %dma_start3A_33 = tpu.memref_slice %arg9[%dma_start3A_31, %dma_start3A_32] : memref<102x128xi32, #tpu.memory_space<vmem>> -> memref<56x128xi32, #tpu.memory_space<vmem>>
        %dma_start3A_34 = arith.constant 0 : i32
        %dma_start3A_35 = arith.constant 0 : i32
        %dma_start3A_36 = tpu.memref_slice %arg4[%arg1, %dma_start3A_34, %dma_start3A_35] : memref<16x56x128xi32, #tpu.memory_space<hbm>> -> memref<1x56x128xi32, #tpu.memory_space<hbm>>
        %dma_start3A_37 = tpu.memref_squeeze %dma_start3A_36 : memref<1x56x128xi32, #tpu.memory_space<hbm>> -> memref<56x128xi32, #tpu.memory_space<hbm>>
        tpu.enqueue_dma source(%dma_start3A_37 : memref<56x128xi32, #tpu.memory_space<hbm>>) target(%dma_start3A_33 : memref<56x128xi32, #tpu.memory_space<vmem>>) target_semaphore(%run_scoped3A : memref<!tpu.dma_semaphore, #tpu.memory_space<semaphore_mem>>)
        %dma_wait3A = arith.constant 0 : i32
        %dma_wait3A_38 = arith.constant 0 : i32
        %dma_wait3A_39 = tpu.memref_slice %arg9[%dma_wait3A, %dma_wait3A_38] : memref<102x128xi32, #tpu.memory_space<vmem>> -> memref<56x128xi32, #tpu.memory_space<vmem>>
        %dma_wait3A_40 = arith.constant 0 : i32
        %dma_wait3A_41 = arith.constant 0 : i32
        %dma_wait3A_42 = tpu.memref_slice %arg4[%arg1, %dma_wait3A_40, %dma_wait3A_41] : memref<16x56x128xi32, #tpu.memory_space<hbm>> -> memref<1x56x128xi32, #tpu.memory_space<hbm>>
        %dma_wait3A_43 = tpu.memref_squeeze %dma_wait3A_42 : memref<1x56x128xi32, #tpu.memory_space<hbm>> -> memref<56x128xi32, #tpu.memory_space<hbm>>
        %dma_wait3A_44 = arith.constant 0 : i32
        %dma_wait3A_45 = arith.constant 0 : i32
        %dma_wait3A_46 = tpu.memref_slice %arg9[%dma_wait3A_44, %dma_wait3A_45] : memref<102x128xi32, #tpu.memory_space<vmem>> -> memref<56x128xi32, #tpu.memory_space<vmem>>
        %dma_wait3A_47 = arith.constant 0 : i32
        %dma_wait3A_48 = arith.constant 0 : i32
        %dma_wait3A_49 = tpu.memref_slice %arg4[%arg1, %dma_wait3A_47, %dma_wait3A_48] : memref<16x56x128xi32, #tpu.memory_space<hbm>> -> memref<1x56x128xi32, #tpu.memory_space<hbm>>
        %dma_wait3A_50 = tpu.memref_squeeze %dma_wait3A_49 : memref<1x56x128xi32, #tpu.memory_space<hbm>> -> memref<56x128xi32, #tpu.memory_space<hbm>>
        tpu.wait_dma2 semaphore(%run_scoped3A : memref<!tpu.dma_semaphore, #tpu.memory_space<semaphore_mem>>) src(%dma_wait3A_50 : memref<56x128xi32, #tpu.memory_space<hbm>>) dst(%dma_wait3A_46 : memref<56x128xi32, #tpu.memory_space<vmem>>)
        tpu.yield
      }) : () -> ()
      "tpu.region"() ({
        %run_scoped3A = tpu.sem_alloc : memref<!tpu.dma_semaphore, #tpu.memory_space<semaphore_mem>>
        %dma_start3A = arith.constant 0 : i32
        %dma_start3A_25 = arith.constant 0 : i32
        %dma_start3A_26 = tpu.memref_slice %arg10[%dma_start3A, %dma_start3A_25] : memref<102x128xi32, #tpu.memory_space<vmem>> -> memref<56x128xi32, #tpu.memory_space<vmem>>
        %dma_start3A_27 = arith.constant 0 : i32
        %dma_start3A_28 = arith.constant 0 : i32
        %dma_start3A_29 = tpu.memref_slice %arg5[%arg1, %dma_start3A_27, %dma_start3A_28] : memref<16x56x128xi32, #tpu.memory_space<hbm>> -> memref<1x56x128xi32, #tpu.memory_space<hbm>>
        %dma_start3A_30 = tpu.memref_squeeze %dma_start3A_29 : memref<1x56x128xi32, #tpu.memory_space<hbm>> -> memref<56x128xi32, #tpu.memory_space<hbm>>
        %dma_start3A_31 = arith.constant 0 : i32
        %dma_start3A_32 = arith.constant 0 : i32
        %dma_start3A_33 = tpu.memref_slice %arg10[%dma_start3A_31, %dma_start3A_32] : memref<102x128xi32, #tpu.memory_space<vmem>> -> memref<56x128xi32, #tpu.memory_space<vmem>>
        %dma_start3A_34 = arith.constant 0 : i32
        %dma_start3A_35 = arith.constant 0 : i32
        %dma_start3A_36 = tpu.memref_slice %arg5[%arg1, %dma_start3A_34, %dma_start3A_35] : memref<16x56x128xi32, #tpu.memory_space<hbm>> -> memref<1x56x128xi32, #tpu.memory_space<hbm>>
        %dma_start3A_37 = tpu.memref_squeeze %dma_start3A_36 : memref<1x56x128xi32, #tpu.memory_space<hbm>> -> memref<56x128xi32, #tpu.memory_space<hbm>>
        tpu.enqueue_dma source(%dma_start3A_37 : memref<56x128xi32, #tpu.memory_space<hbm>>) target(%dma_start3A_33 : memref<56x128xi32, #tpu.memory_space<vmem>>) target_semaphore(%run_scoped3A : memref<!tpu.dma_semaphore, #tpu.memory_space<semaphore_mem>>)
        %dma_wait3A = arith.constant 0 : i32
        %dma_wait3A_38 = arith.constant 0 : i32
        %dma_wait3A_39 = tpu.memref_slice %arg10[%dma_wait3A, %dma_wait3A_38] : memref<102x128xi32, #tpu.memory_space<vmem>> -> memref<56x128xi32, #tpu.memory_space<vmem>>
        %dma_wait3A_40 = arith.constant 0 : i32
        %dma_wait3A_41 = arith.constant 0 : i32
        %dma_wait3A_42 = tpu.memref_slice %arg5[%arg1, %dma_wait3A_40, %dma_wait3A_41] : memref<16x56x128xi32, #tpu.memory_space<hbm>> -> memref<1x56x128xi32, #tpu.memory_space<hbm>>
        %dma_wait3A_43 = tpu.memref_squeeze %dma_wait3A_42 : memref<1x56x128xi32, #tpu.memory_space<hbm>> -> memref<56x128xi32, #tpu.memory_space<hbm>>
        %dma_wait3A_44 = arith.constant 0 : i32
        %dma_wait3A_45 = arith.constant 0 : i32
        %dma_wait3A_46 = tpu.memref_slice %arg10[%dma_wait3A_44, %dma_wait3A_45] : memref<102x128xi32, #tpu.memory_space<vmem>> -> memref<56x128xi32, #tpu.memory_space<vmem>>
        %dma_wait3A_47 = arith.constant 0 : i32
        %dma_wait3A_48 = arith.constant 0 : i32
        %dma_wait3A_49 = tpu.memref_slice %arg5[%arg1, %dma_wait3A_47, %dma_wait3A_48] : memref<16x56x128xi32, #tpu.memory_space<hbm>> -> memref<1x56x128xi32, #tpu.memory_space<hbm>>
        %dma_wait3A_50 = tpu.memref_squeeze %dma_wait3A_49 : memref<1x56x128xi32, #tpu.memory_space<hbm>> -> memref<56x128xi32, #tpu.memory_space<hbm>>
        tpu.wait_dma2 semaphore(%run_scoped3A : memref<!tpu.dma_semaphore, #tpu.memory_space<semaphore_mem>>) src(%dma_wait3A_50 : memref<56x128xi32, #tpu.memory_space<hbm>>) dst(%dma_wait3A_46 : memref<56x128xi32, #tpu.memory_space<vmem>>)
        tpu.yield
      }) : () -> ()
    } else {
    }
    %barrier3A = arith.constant 0 : index
    tpu.barrier barrier_id(%barrier3A)
    %eq3A_8 = arith.constant 0 : i32
    %eq3A_9 = arith.cmpi eq, %arg0, %eq3A_8 : i32
    %jit3A = arith.constant 102 : i32
    %jit3A_10 = arith.constant 56 : i32
    %select_n3A = arith.select %eq3A_9, %jit3A, %jit3A_10 : i32
    %while3A = arith.constant 0 : i32
    %while3A_11 = arith.constant 0 : i32
    %while3A_12 = arith.subi %select_n3A, %while3A_11 : i32
    %while3A_13 = arith.addi %while3A_11, %while3A_12 : i32
    %while3A_14 = arith.constant 1 : i32
    %while3A_15 = arith.divsi %while3A_12, %while3A_14 : i32
    %while3A_16 = arith.muli %while3A_15, %while3A_14 : i32
    %while3A_17 = arith.addi %while3A_11, %while3A_16 : i32
    %while3A_18 = arith.constant 1 : i32
    scf.for %while3A_25 = %while3A_11 to %while3A_17 step %while3A_18  : i32 {
      "tpu.region"() ({
        %run_scoped3A = tpu.sem_alloc : memref<!tpu.dma_semaphore, #tpu.memory_space<semaphore_mem>>
        %dma_start3A = arith.constant 0 : i32
        %dma_start3A_26 = tpu.memref_slice %arg9[%while3A_25, %dma_start3A] : memref<102x128xi32, #tpu.memory_space<vmem>> -> memref<1x128xi32, #tpu.memory_space<vmem>>
        %dma_start3A_27 = tpu.memref_squeeze %dma_start3A_26 : memref<1x128xi32, #tpu.memory_space<vmem>> -> memref<128xi32, #tpu.memory_space<vmem>>
        %dma_start3A_28 = arith.constant 0 : i32
        %dma_start3A_29 = arith.constant 0 : i32
        %dma_start3A_30 = tpu.memref_slice %arg6[%dma_start3A_28, %dma_start3A_29] : memref<10240x128xf32, #tpu.memory_space<hbm>> -> memref<10240x128xf32, #tpu.memory_space<hbm>>
        tpu.enqueue_indirect_dma source(%dma_start3A_30 : memref<10240x128xf32, #tpu.memory_space<hbm>>) target(%arg11 : memref<128x128xf32, #tpu.memory_space<vmem>>) offsets(%dma_start3A_27 : memref<128xi32, #tpu.memory_space<vmem>>) semaphore(%run_scoped3A : memref<!tpu.dma_semaphore, #tpu.memory_space<semaphore_mem>>)
        %dma_wait3A = arith.constant 0 : i32
        %dma_wait3A_31 = tpu.memref_slice %arg9[%while3A_25, %dma_wait3A] : memref<102x128xi32, #tpu.memory_space<vmem>> -> memref<1x128xi32, #tpu.memory_space<vmem>>
        %dma_wait3A_32 = tpu.memref_squeeze %dma_wait3A_31 : memref<1x128xi32, #tpu.memory_space<vmem>> -> memref<128xi32, #tpu.memory_space<vmem>>
        %dma_wait3A_33 = arith.constant 0 : i32
        %dma_wait3A_34 = arith.constant 0 : i32
        %dma_wait3A_35 = tpu.memref_slice %arg6[%dma_wait3A_33, %dma_wait3A_34] : memref<10240x128xf32, #tpu.memory_space<hbm>> -> memref<10240x128xf32, #tpu.memory_space<hbm>>
        tpu.wait_indirect_dma semaphore(%run_scoped3A : memref<!tpu.dma_semaphore, #tpu.memory_space<semaphore_mem>>) src(%dma_wait3A_35 : memref<10240x128xf32, #tpu.memory_space<hbm>>) dst(%arg11 : memref<128x128xf32, #tpu.memory_space<vmem>>)
        tpu.yield
      }) : () -> ()
      "tpu.region"() ({
        %run_scoped3A = tpu.sem_alloc : memref<!tpu.dma_semaphore, #tpu.memory_space<semaphore_mem>>
        %dma_start3A = arith.constant 0 : i32
        %dma_start3A_26 = tpu.memref_slice %arg10[%while3A_25, %dma_start3A] : memref<102x128xi32, #tpu.memory_space<vmem>> -> memref<1x128xi32, #tpu.memory_space<vmem>>
        %dma_start3A_27 = tpu.memref_squeeze %dma_start3A_26 : memref<1x128xi32, #tpu.memory_space<vmem>> -> memref<128xi32, #tpu.memory_space<vmem>>
        %dma_start3A_28 = arith.constant 0 : i32
        %dma_start3A_29 = arith.constant 0 : i32
        %dma_start3A_30 = tpu.memref_slice %arg12[%dma_start3A_28, %dma_start3A_29] : memref<10240x128xf32, #tpu.memory_space<vmem_shared>> -> memref<10240x128xf32, #tpu.memory_space<vmem_shared>>
        tpu.enqueue_indirect_dma source(%arg11 : memref<128x128xf32, #tpu.memory_space<vmem>>) target(%dma_start3A_30 : memref<10240x128xf32, #tpu.memory_space<vmem_shared>>) offsets(%dma_start3A_27 : memref<128xi32, #tpu.memory_space<vmem>>) semaphore(%run_scoped3A : memref<!tpu.dma_semaphore, #tpu.memory_space<semaphore_mem>>) {add = true}
        %dma_wait3A = arith.constant 0 : i32
        %dma_wait3A_31 = tpu.memref_slice %arg10[%while3A_25, %dma_wait3A] : memref<102x128xi32, #tpu.memory_space<vmem>> -> memref<1x128xi32, #tpu.memory_space<vmem>>
        %dma_wait3A_32 = tpu.memref_squeeze %dma_wait3A_31 : memref<1x128xi32, #tpu.memory_space<vmem>> -> memref<128xi32, #tpu.memory_space<vmem>>
        %dma_wait3A_33 = arith.constant 0 : i32
        %dma_wait3A_34 = arith.constant 0 : i32
        %dma_wait3A_35 = tpu.memref_slice %arg12[%dma_wait3A_33, %dma_wait3A_34] : memref<10240x128xf32, #tpu.memory_space<vmem_shared>> -> memref<10240x128xf32, #tpu.memory_space<vmem_shared>>
        tpu.wait_indirect_dma semaphore(%run_scoped3A : memref<!tpu.dma_semaphore, #tpu.memory_space<semaphore_mem>>) src(%arg11 : memref<128x128xf32, #tpu.memory_space<vmem>>) dst(%dma_wait3A_35 : memref<10240x128xf32, #tpu.memory_space<vmem_shared>>)
        tpu.yield
      }) : () -> ()
    }
    %while3A_19 = arith.constant 1 : i32
    scf.for %while3A_25 = %while3A_17 to %while3A_13 step %while3A_19  : i32 {
      "tpu.region"() ({
        %run_scoped3A = tpu.sem_alloc : memref<!tpu.dma_semaphore, #tpu.memory_space<semaphore_mem>>
        %dma_start3A = arith.constant 0 : i32
        %dma_start3A_26 = tpu.memref_slice %arg9[%while3A_25, %dma_start3A] : memref<102x128xi32, #tpu.memory_space<vmem>> -> memref<1x128xi32, #tpu.memory_space<vmem>>
        %dma_start3A_27 = tpu.memref_squeeze %dma_start3A_26 : memref<1x128xi32, #tpu.memory_space<vmem>> -> memref<128xi32, #tpu.memory_space<vmem>>
        %dma_start3A_28 = arith.constant 0 : i32
        %dma_start3A_29 = arith.constant 0 : i32
        %dma_start3A_30 = tpu.memref_slice %arg6[%dma_start3A_28, %dma_start3A_29] : memref<10240x128xf32, #tpu.memory_space<hbm>> -> memref<10240x128xf32, #tpu.memory_space<hbm>>
        tpu.enqueue_indirect_dma source(%dma_start3A_30 : memref<10240x128xf32, #tpu.memory_space<hbm>>) target(%arg11 : memref<128x128xf32, #tpu.memory_space<vmem>>) offsets(%dma_start3A_27 : memref<128xi32, #tpu.memory_space<vmem>>) semaphore(%run_scoped3A : memref<!tpu.dma_semaphore, #tpu.memory_space<semaphore_mem>>)
        %dma_wait3A = arith.constant 0 : i32
        %dma_wait3A_31 = tpu.memref_slice %arg9[%while3A_25, %dma_wait3A] : memref<102x128xi32, #tpu.memory_space<vmem>> -> memref<1x128xi32, #tpu.memory_space<vmem>>
        %dma_wait3A_32 = tpu.memref_squeeze %dma_wait3A_31 : memref<1x128xi32, #tpu.memory_space<vmem>> -> memref<128xi32, #tpu.memory_space<vmem>>
        %dma_wait3A_33 = arith.constant 0 : i32
        %dma_wait3A_34 = arith.constant 0 : i32
        %dma_wait3A_35 = tpu.memref_slice %arg6[%dma_wait3A_33, %dma_wait3A_34] : memref<10240x128xf32, #tpu.memory_space<hbm>> -> memref<10240x128xf32, #tpu.memory_space<hbm>>
        tpu.wait_indirect_dma semaphore(%run_scoped3A : memref<!tpu.dma_semaphore, #tpu.memory_space<semaphore_mem>>) src(%dma_wait3A_35 : memref<10240x128xf32, #tpu.memory_space<hbm>>) dst(%arg11 : memref<128x128xf32, #tpu.memory_space<vmem>>)
        tpu.yield
      }) : () -> ()
      "tpu.region"() ({
        %run_scoped3A = tpu.sem_alloc : memref<!tpu.dma_semaphore, #tpu.memory_space<semaphore_mem>>
        %dma_start3A = arith.constant 0 : i32
        %dma_start3A_26 = tpu.memref_slice %arg10[%while3A_25, %dma_start3A] : memref<102x128xi32, #tpu.memory_space<vmem>> -> memref<1x128xi32, #tpu.memory_space<vmem>>
        %dma_start3A_27 = tpu.memref_squeeze %dma_start3A_26 : memref<1x128xi32, #tpu.memory_space<vmem>> -> memref<128xi32, #tpu.memory_space<vmem>>
        %dma_start3A_28 = arith.constant 0 : i32
        %dma_start3A_29 = arith.constant 0 : i32
        %dma_start3A_30 = tpu.memref_slice %arg12[%dma_start3A_28, %dma_start3A_29] : memref<10240x128xf32, #tpu.memory_space<vmem_shared>> -> memref<10240x128xf32, #tpu.memory_space<vmem_shared>>
        tpu.enqueue_indirect_dma source(%arg11 : memref<128x128xf32, #tpu.memory_space<vmem>>) target(%dma_start3A_30 : memref<10240x128xf32, #tpu.memory_space<vmem_shared>>) offsets(%dma_start3A_27 : memref<128xi32, #tpu.memory_space<vmem>>) semaphore(%run_scoped3A : memref<!tpu.dma_semaphore, #tpu.memory_space<semaphore_mem>>) {add = true}
        %dma_wait3A = arith.constant 0 : i32
        %dma_wait3A_31 = tpu.memref_slice %arg10[%while3A_25, %dma_wait3A] : memref<102x128xi32, #tpu.memory_space<vmem>> -> memref<1x128xi32, #tpu.memory_space<vmem>>
        %dma_wait3A_32 = tpu.memref_squeeze %dma_wait3A_31 : memref<1x128xi32, #tpu.memory_space<vmem>> -> memref<128xi32, #tpu.memory_space<vmem>>
        %dma_wait3A_33 = arith.constant 0 : i32
        %dma_wait3A_34 = arith.constant 0 : i32
        %dma_wait3A_35 = tpu.memref_slice %arg12[%dma_wait3A_33, %dma_wait3A_34] : memref<10240x128xf32, #tpu.memory_space<vmem_shared>> -> memref<10240x128xf32, #tpu.memory_space<vmem_shared>>
        tpu.wait_indirect_dma semaphore(%run_scoped3A : memref<!tpu.dma_semaphore, #tpu.memory_space<semaphore_mem>>) src(%arg11 : memref<128x128xf32, #tpu.memory_space<vmem>>) dst(%dma_wait3A_35 : memref<10240x128xf32, #tpu.memory_space<vmem_shared>>)
        tpu.yield
      }) : () -> ()
    }
    %barrier3A_20 = arith.constant 0 : index
    tpu.barrier barrier_id(%barrier3A_20)
    %mul3A_21 = arith.constant 640 : i32
    %mul3A_22 = arith.muli %arg1, %mul3A_21 : i32
    %mul3A_23 = arith.constant 640 : i32
    %mul3A_24 = arith.muli %arg1, %mul3A_23 : i32
    "tpu.region"() ({
      %run_scoped3A = tpu.sem_alloc : memref<!tpu.dma_semaphore, #tpu.memory_space<semaphore_mem>>
      %dma_start3A = arith.constant 0 : i32
      %dma_start3A_25 = tpu.memref_slice %arg8[%arg0, %mul3A_24, %dma_start3A] : memref<2x10240x128xf32, #tpu.memory_space<hbm>> -> memref<1x640x128xf32, #tpu.memory_space<hbm>>
      %dma_start3A_26 = tpu.memref_squeeze %dma_start3A_25 : memref<1x640x128xf32, #tpu.memory_space<hbm>> -> memref<640x128xf32, #tpu.memory_space<hbm>>
      %dma_start3A_27 = arith.constant 0 : i32
      %dma_start3A_28 = tpu.memref_slice %arg12[%mul3A_22, %dma_start3A_27] : memref<10240x128xf32, #tpu.memory_space<vmem_shared>> -> memref<640x128xf32, #tpu.memory_space<vmem_shared>>
      tpu.enqueue_dma source(%dma_start3A_28 : memref<640x128xf32, #tpu.memory_space<vmem_shared>>) target(%dma_start3A_26 : memref<640x128xf32, #tpu.memory_space<hbm>>) target_semaphore(%run_scoped3A : memref<!tpu.dma_semaphore, #tpu.memory_space<semaphore_mem>>)
      %dma_wait3A = arith.constant 0 : i32
      %dma_wait3A_29 = tpu.memref_slice %arg8[%arg0, %mul3A_24, %dma_wait3A] : memref<2x10240x128xf32, #tpu.memory_space<hbm>> -> memref<1x640x128xf32, #tpu.memory_space<hbm>>
      %dma_wait3A_30 = tpu.memref_squeeze %dma_wait3A_29 : memref<1x640x128xf32, #tpu.memory_space<hbm>> -> memref<640x128xf32, #tpu.memory_space<hbm>>
      %dma_wait3A_31 = arith.constant 0 : i32
      %dma_wait3A_32 = tpu.memref_slice %arg12[%mul3A_22, %dma_wait3A_31] : memref<10240x128xf32, #tpu.memory_space<vmem_shared>> -> memref<640x128xf32, #tpu.memory_space<vmem_shared>>
      tpu.wait_dma2 semaphore(%run_scoped3A : memref<!tpu.dma_semaphore, #tpu.memory_space<semaphore_mem>>) src(%dma_wait3A_32 : memref<640x128xf32, #tpu.memory_space<vmem_shared>>) dst(%dma_wait3A_30 : memref<640x128xf32, #tpu.memory_space<hbm>>)
      tpu.yield
    }) : () -> ()
    return
  }
}

#map = affine_map<(d0, d1) -> (0, 0, 0)>
#map1 = affine_map<(d0, d1) -> (0, 0)>
module attributes {stable_mosaic.version = 14 : i64} {
  func.func @_sc_agg(%arg0: i32, %arg1: i32, %arg2: memref<16x102x128xi32, #tpu.memory_space<hbm>>, %arg3: memref<16x102x128xi32, #tpu.memory_space<hbm>>, %arg4: memref<16x56x128xi32, #tpu.memory_space<hbm>>, %arg5: memref<16x56x128xi32, #tpu.memory_space<hbm>>, %arg6: memref<10240x128xf32, #tpu.memory_space<hbm>>, %arg7: memref<640x128xf32, #tpu.memory_space<hbm>>, %arg8: memref<2x10240x128xf32, #tpu.memory_space<hbm>>, %arg9: memref<102x128xi32, #tpu.memory_space<vmem>>, %arg10: memref<102x128xi32, #tpu.memory_space<vmem>>, %arg11: memref<128x128xf32, #tpu.memory_space<vmem>>, %arg12: memref<10240x128xf32, #tpu.memory_space<vmem_shared>>) attributes {dimension_semantics = [#tpu.dimension_semantics<core_parallel>, #tpu.dimension_semantics<subcore_parallel>], iteration_bounds = array<i64: 2, 16>, scalar_prefetch = 0 : i64, scratch_operands = 4 : i64, tpu.core_type = #tpu.core_type<sc_vector_subcore>, window_params = [{transform_indices = #map}, {transform_indices = #map}, {transform_indices = #map}, {transform_indices = #map}, {transform_indices = #map1}, {transform_indices = #map1}, {transform_indices = #map}]} {
    %mul3A = arith.constant 640 : i32
    %mul3A_0 = arith.muli %arg1, %mul3A : i32
    "tpu.region"() ({
      %run_scoped3A = tpu.sem_alloc : memref<!tpu.dma_semaphore, #tpu.memory_space<semaphore_mem>>
      %dma_start3A = arith.constant 0 : i32
      %dma_start3A_25 = tpu.memref_slice %arg12[%mul3A_0, %dma_start3A] : memref<10240x128xf32, #tpu.memory_space<vmem_shared>> -> memref<640x128xf32, #tpu.memory_space<vmem_shared>>
      tpu.enqueue_dma source(%arg7 : memref<640x128xf32, #tpu.memory_space<hbm>>) target(%dma_start3A_25 : memref<640x128xf32, #tpu.memory_space<vmem_shared>>) target_semaphore(%run_scoped3A : memref<!tpu.dma_semaphore, #tpu.memory_space<semaphore_mem>>)
      %dma_wait3A = arith.constant 0 : i32
      %dma_wait3A_26 = tpu.memref_slice %arg12[%mul3A_0, %dma_wait3A] : memref<10240x128xf32, #tpu.memory_space<vmem_shared>> -> memref<640x128xf32, #tpu.memory_space<vmem_shared>>
      tpu.wait_dma2 semaphore(%run_scoped3A : memref<!tpu.dma_semaphore, #tpu.memory_space<semaphore_mem>>) src(%arg7 : memref<640x128xf32, #tpu.memory_space<hbm>>) dst(%dma_wait3A_26 : memref<640x128xf32, #tpu.memory_space<vmem_shared>>)
      tpu.yield
    }) : () -> ()
    %eq3A = arith.constant 0 : i32
    %eq3A_1 = arith.cmpi eq, %arg0, %eq3A : i32
    %convert_element_type3A = arith.extui %eq3A_1 : i1 to i32
    %cond3A = arith.constant 0 : i32
    %cond3A_2 = arith.cmpi ne, %convert_element_type3A, %cond3A : i32
    scf.if %cond3A_2 {
      "tpu.region"() ({
        %run_scoped3A = tpu.sem_alloc : memref<!tpu.dma_semaphore, #tpu.memory_space<semaphore_mem>>
        %dma_start3A = arith.constant 0 : i32
        %dma_start3A_25 = arith.constant 0 : i32
        %dma_start3A_26 = tpu.memref_slice %arg2[%arg1, %dma_start3A, %dma_start3A_25] : memref<16x102x128xi32, #tpu.memory_space<hbm>> -> memref<1x102x128xi32, #tpu.memory_space<hbm>>
        %dma_start3A_27 = tpu.memref_squeeze %dma_start3A_26 : memref<1x102x128xi32, #tpu.memory_space<hbm>> -> memref<102x128xi32, #tpu.memory_space<hbm>>
        %dma_start3A_28 = arith.constant 0 : i32
        %dma_start3A_29 = arith.constant 0 : i32
        %dma_start3A_30 = tpu.memref_slice %arg2[%arg1, %dma_start3A_28, %dma_start3A_29] : memref<16x102x128xi32, #tpu.memory_space<hbm>> -> memref<1x102x128xi32, #tpu.memory_space<hbm>>
        %dma_start3A_31 = tpu.memref_squeeze %dma_start3A_30 : memref<1x102x128xi32, #tpu.memory_space<hbm>> -> memref<102x128xi32, #tpu.memory_space<hbm>>
        tpu.enqueue_dma source(%dma_start3A_31 : memref<102x128xi32, #tpu.memory_space<hbm>>) target(%arg9 : memref<102x128xi32, #tpu.memory_space<vmem>>) target_semaphore(%run_scoped3A : memref<!tpu.dma_semaphore, #tpu.memory_space<semaphore_mem>>)
        %dma_wait3A = arith.constant 0 : i32
        %dma_wait3A_32 = arith.constant 0 : i32
        %dma_wait3A_33 = tpu.memref_slice %arg2[%arg1, %dma_wait3A, %dma_wait3A_32] : memref<16x102x128xi32, #tpu.memory_space<hbm>> -> memref<1x102x128xi32, #tpu.memory_space<hbm>>
        %dma_wait3A_34 = tpu.memref_squeeze %dma_wait3A_33 : memref<1x102x128xi32, #tpu.memory_space<hbm>> -> memref<102x128xi32, #tpu.memory_space<hbm>>
        %dma_wait3A_35 = arith.constant 0 : i32
        %dma_wait3A_36 = arith.constant 0 : i32
        %dma_wait3A_37 = tpu.memref_slice %arg2[%arg1, %dma_wait3A_35, %dma_wait3A_36] : memref<16x102x128xi32, #tpu.memory_space<hbm>> -> memref<1x102x128xi32, #tpu.memory_space<hbm>>
        %dma_wait3A_38 = tpu.memref_squeeze %dma_wait3A_37 : memref<1x102x128xi32, #tpu.memory_space<hbm>> -> memref<102x128xi32, #tpu.memory_space<hbm>>
        tpu.wait_dma2 semaphore(%run_scoped3A : memref<!tpu.dma_semaphore, #tpu.memory_space<semaphore_mem>>) src(%dma_wait3A_38 : memref<102x128xi32, #tpu.memory_space<hbm>>) dst(%arg9 : memref<102x128xi32, #tpu.memory_space<vmem>>)
        tpu.yield
      }) : () -> ()
      "tpu.region"() ({
        %run_scoped3A = tpu.sem_alloc : memref<!tpu.dma_semaphore, #tpu.memory_space<semaphore_mem>>
        %dma_start3A = arith.constant 0 : i32
        %dma_start3A_25 = arith.constant 0 : i32
        %dma_start3A_26 = tpu.memref_slice %arg3[%arg1, %dma_start3A, %dma_start3A_25] : memref<16x102x128xi32, #tpu.memory_space<hbm>> -> memref<1x102x128xi32, #tpu.memory_space<hbm>>
        %dma_start3A_27 = tpu.memref_squeeze %dma_start3A_26 : memref<1x102x128xi32, #tpu.memory_space<hbm>> -> memref<102x128xi32, #tpu.memory_space<hbm>>
        %dma_start3A_28 = arith.constant 0 : i32
        %dma_start3A_29 = arith.constant 0 : i32
        %dma_start3A_30 = tpu.memref_slice %arg3[%arg1, %dma_start3A_28, %dma_start3A_29] : memref<16x102x128xi32, #tpu.memory_space<hbm>> -> memref<1x102x128xi32, #tpu.memory_space<hbm>>
        %dma_start3A_31 = tpu.memref_squeeze %dma_start3A_30 : memref<1x102x128xi32, #tpu.memory_space<hbm>> -> memref<102x128xi32, #tpu.memory_space<hbm>>
        tpu.enqueue_dma source(%dma_start3A_31 : memref<102x128xi32, #tpu.memory_space<hbm>>) target(%arg10 : memref<102x128xi32, #tpu.memory_space<vmem>>) target_semaphore(%run_scoped3A : memref<!tpu.dma_semaphore, #tpu.memory_space<semaphore_mem>>)
        %dma_wait3A = arith.constant 0 : i32
        %dma_wait3A_32 = arith.constant 0 : i32
        %dma_wait3A_33 = tpu.memref_slice %arg3[%arg1, %dma_wait3A, %dma_wait3A_32] : memref<16x102x128xi32, #tpu.memory_space<hbm>> -> memref<1x102x128xi32, #tpu.memory_space<hbm>>
        %dma_wait3A_34 = tpu.memref_squeeze %dma_wait3A_33 : memref<1x102x128xi32, #tpu.memory_space<hbm>> -> memref<102x128xi32, #tpu.memory_space<hbm>>
        %dma_wait3A_35 = arith.constant 0 : i32
        %dma_wait3A_36 = arith.constant 0 : i32
        %dma_wait3A_37 = tpu.memref_slice %arg3[%arg1, %dma_wait3A_35, %dma_wait3A_36] : memref<16x102x128xi32, #tpu.memory_space<hbm>> -> memref<1x102x128xi32, #tpu.memory_space<hbm>>
        %dma_wait3A_38 = tpu.memref_squeeze %dma_wait3A_37 : memref<1x102x128xi32, #tpu.memory_space<hbm>> -> memref<102x128xi32, #tpu.memory_space<hbm>>
        tpu.wait_dma2 semaphore(%run_scoped3A : memref<!tpu.dma_semaphore, #tpu.memory_space<semaphore_mem>>) src(%dma_wait3A_38 : memref<102x128xi32, #tpu.memory_space<hbm>>) dst(%arg10 : memref<102x128xi32, #tpu.memory_space<vmem>>)
        tpu.yield
      }) : () -> ()
    } else {
    }
    %eq3A_3 = arith.constant 1 : i32
    %eq3A_4 = arith.cmpi eq, %arg0, %eq3A_3 : i32
    %convert_element_type3A_5 = arith.extui %eq3A_4 : i1 to i32
    %cond3A_6 = arith.constant 0 : i32
    %cond3A_7 = arith.cmpi ne, %convert_element_type3A_5, %cond3A_6 : i32
    scf.if %cond3A_7 {
      "tpu.region"() ({
        %run_scoped3A = tpu.sem_alloc : memref<!tpu.dma_semaphore, #tpu.memory_space<semaphore_mem>>
        %dma_start3A = arith.constant 0 : i32
        %dma_start3A_25 = arith.constant 0 : i32
        %dma_start3A_26 = tpu.memref_slice %arg9[%dma_start3A, %dma_start3A_25] : memref<102x128xi32, #tpu.memory_space<vmem>> -> memref<56x128xi32, #tpu.memory_space<vmem>>
        %dma_start3A_27 = arith.constant 0 : i32
        %dma_start3A_28 = arith.constant 0 : i32
        %dma_start3A_29 = tpu.memref_slice %arg4[%arg1, %dma_start3A_27, %dma_start3A_28] : memref<16x56x128xi32, #tpu.memory_space<hbm>> -> memref<1x56x128xi32, #tpu.memory_space<hbm>>
        %dma_start3A_30 = tpu.memref_squeeze %dma_start3A_29 : memref<1x56x128xi32, #tpu.memory_space<hbm>> -> memref<56x128xi32, #tpu.memory_space<hbm>>
        %dma_start3A_31 = arith.constant 0 : i32
        %dma_start3A_32 = arith.constant 0 : i32
        %dma_start3A_33 = tpu.memref_slice %arg9[%dma_start3A_31, %dma_start3A_32] : memref<102x128xi32, #tpu.memory_space<vmem>> -> memref<56x128xi32, #tpu.memory_space<vmem>>
        %dma_start3A_34 = arith.constant 0 : i32
        %dma_start3A_35 = arith.constant 0 : i32
        %dma_start3A_36 = tpu.memref_slice %arg4[%arg1, %dma_start3A_34, %dma_start3A_35] : memref<16x56x128xi32, #tpu.memory_space<hbm>> -> memref<1x56x128xi32, #tpu.memory_space<hbm>>
        %dma_start3A_37 = tpu.memref_squeeze %dma_start3A_36 : memref<1x56x128xi32, #tpu.memory_space<hbm>> -> memref<56x128xi32, #tpu.memory_space<hbm>>
        tpu.enqueue_dma source(%dma_start3A_37 : memref<56x128xi32, #tpu.memory_space<hbm>>) target(%dma_start3A_33 : memref<56x128xi32, #tpu.memory_space<vmem>>) target_semaphore(%run_scoped3A : memref<!tpu.dma_semaphore, #tpu.memory_space<semaphore_mem>>)
        %dma_wait3A = arith.constant 0 : i32
        %dma_wait3A_38 = arith.constant 0 : i32
        %dma_wait3A_39 = tpu.memref_slice %arg9[%dma_wait3A, %dma_wait3A_38] : memref<102x128xi32, #tpu.memory_space<vmem>> -> memref<56x128xi32, #tpu.memory_space<vmem>>
        %dma_wait3A_40 = arith.constant 0 : i32
        %dma_wait3A_41 = arith.constant 0 : i32
        %dma_wait3A_42 = tpu.memref_slice %arg4[%arg1, %dma_wait3A_40, %dma_wait3A_41] : memref<16x56x128xi32, #tpu.memory_space<hbm>> -> memref<1x56x128xi32, #tpu.memory_space<hbm>>
        %dma_wait3A_43 = tpu.memref_squeeze %dma_wait3A_42 : memref<1x56x128xi32, #tpu.memory_space<hbm>> -> memref<56x128xi32, #tpu.memory_space<hbm>>
        %dma_wait3A_44 = arith.constant 0 : i32
        %dma_wait3A_45 = arith.constant 0 : i32
        %dma_wait3A_46 = tpu.memref_slice %arg9[%dma_wait3A_44, %dma_wait3A_45] : memref<102x128xi32, #tpu.memory_space<vmem>> -> memref<56x128xi32, #tpu.memory_space<vmem>>
        %dma_wait3A_47 = arith.constant 0 : i32
        %dma_wait3A_48 = arith.constant 0 : i32
        %dma_wait3A_49 = tpu.memref_slice %arg4[%arg1, %dma_wait3A_47, %dma_wait3A_48] : memref<16x56x128xi32, #tpu.memory_space<hbm>> -> memref<1x56x128xi32, #tpu.memory_space<hbm>>
        %dma_wait3A_50 = tpu.memref_squeeze %dma_wait3A_49 : memref<1x56x128xi32, #tpu.memory_space<hbm>> -> memref<56x128xi32, #tpu.memory_space<hbm>>
        tpu.wait_dma2 semaphore(%run_scoped3A : memref<!tpu.dma_semaphore, #tpu.memory_space<semaphore_mem>>) src(%dma_wait3A_50 : memref<56x128xi32, #tpu.memory_space<hbm>>) dst(%dma_wait3A_46 : memref<56x128xi32, #tpu.memory_space<vmem>>)
        tpu.yield
      }) : () -> ()
      "tpu.region"() ({
        %run_scoped3A = tpu.sem_alloc : memref<!tpu.dma_semaphore, #tpu.memory_space<semaphore_mem>>
        %dma_start3A = arith.constant 0 : i32
        %dma_start3A_25 = arith.constant 0 : i32
        %dma_start3A_26 = tpu.memref_slice %arg10[%dma_start3A, %dma_start3A_25] : memref<102x128xi32, #tpu.memory_space<vmem>> -> memref<56x128xi32, #tpu.memory_space<vmem>>
        %dma_start3A_27 = arith.constant 0 : i32
        %dma_start3A_28 = arith.constant 0 : i32
        %dma_start3A_29 = tpu.memref_slice %arg5[%arg1, %dma_start3A_27, %dma_start3A_28] : memref<16x56x128xi32, #tpu.memory_space<hbm>> -> memref<1x56x128xi32, #tpu.memory_space<hbm>>
        %dma_start3A_30 = tpu.memref_squeeze %dma_start3A_29 : memref<1x56x128xi32, #tpu.memory_space<hbm>> -> memref<56x128xi32, #tpu.memory_space<hbm>>
        %dma_start3A_31 = arith.constant 0 : i32
        %dma_start3A_32 = arith.constant 0 : i32
        %dma_start3A_33 = tpu.memref_slice %arg10[%dma_start3A_31, %dma_start3A_32] : memref<102x128xi32, #tpu.memory_space<vmem>> -> memref<56x128xi32, #tpu.memory_space<vmem>>
        %dma_start3A_34 = arith.constant 0 : i32
        %dma_start3A_35 = arith.constant 0 : i32
        %dma_start3A_36 = tpu.memref_slice %arg5[%arg1, %dma_start3A_34, %dma_start3A_35] : memref<16x56x128xi32, #tpu.memory_space<hbm>> -> memref<1x56x128xi32, #tpu.memory_space<hbm>>
        %dma_start3A_37 = tpu.memref_squeeze %dma_start3A_36 : memref<1x56x128xi32, #tpu.memory_space<hbm>> -> memref<56x128xi32, #tpu.memory_space<hbm>>
        tpu.enqueue_dma source(%dma_start3A_37 : memref<56x128xi32, #tpu.memory_space<hbm>>) target(%dma_start3A_33 : memref<56x128xi32, #tpu.memory_space<vmem>>) target_semaphore(%run_scoped3A : memref<!tpu.dma_semaphore, #tpu.memory_space<semaphore_mem>>)
        %dma_wait3A = arith.constant 0 : i32
        %dma_wait3A_38 = arith.constant 0 : i32
        %dma_wait3A_39 = tpu.memref_slice %arg10[%dma_wait3A, %dma_wait3A_38] : memref<102x128xi32, #tpu.memory_space<vmem>> -> memref<56x128xi32, #tpu.memory_space<vmem>>
        %dma_wait3A_40 = arith.constant 0 : i32
        %dma_wait3A_41 = arith.constant 0 : i32
        %dma_wait3A_42 = tpu.memref_slice %arg5[%arg1, %dma_wait3A_40, %dma_wait3A_41] : memref<16x56x128xi32, #tpu.memory_space<hbm>> -> memref<1x56x128xi32, #tpu.memory_space<hbm>>
        %dma_wait3A_43 = tpu.memref_squeeze %dma_wait3A_42 : memref<1x56x128xi32, #tpu.memory_space<hbm>> -> memref<56x128xi32, #tpu.memory_space<hbm>>
        %dma_wait3A_44 = arith.constant 0 : i32
        %dma_wait3A_45 = arith.constant 0 : i32
        %dma_wait3A_46 = tpu.memref_slice %arg10[%dma_wait3A_44, %dma_wait3A_45] : memref<102x128xi32, #tpu.memory_space<vmem>> -> memref<56x128xi32, #tpu.memory_space<vmem>>
        %dma_wait3A_47 = arith.constant 0 : i32
        %dma_wait3A_48 = arith.constant 0 : i32
        %dma_wait3A_49 = tpu.memref_slice %arg5[%arg1, %dma_wait3A_47, %dma_wait3A_48] : memref<16x56x128xi32, #tpu.memory_space<hbm>> -> memref<1x56x128xi32, #tpu.memory_space<hbm>>
        %dma_wait3A_50 = tpu.memref_squeeze %dma_wait3A_49 : memref<1x56x128xi32, #tpu.memory_space<hbm>> -> memref<56x128xi32, #tpu.memory_space<hbm>>
        tpu.wait_dma2 semaphore(%run_scoped3A : memref<!tpu.dma_semaphore, #tpu.memory_space<semaphore_mem>>) src(%dma_wait3A_50 : memref<56x128xi32, #tpu.memory_space<hbm>>) dst(%dma_wait3A_46 : memref<56x128xi32, #tpu.memory_space<vmem>>)
        tpu.yield
      }) : () -> ()
    } else {
    }
    %barrier3A = arith.constant 0 : index
    tpu.barrier barrier_id(%barrier3A)
    %eq3A_8 = arith.constant 0 : i32
    %eq3A_9 = arith.cmpi eq, %arg0, %eq3A_8 : i32
    %jit3A = arith.constant 102 : i32
    %jit3A_10 = arith.constant 56 : i32
    %select_n3A = arith.select %eq3A_9, %jit3A, %jit3A_10 : i32
    %while3A = arith.constant 0 : i32
    %while3A_11 = arith.constant 0 : i32
    %while3A_12 = arith.subi %select_n3A, %while3A_11 : i32
    %while3A_13 = arith.addi %while3A_11, %while3A_12 : i32
    %while3A_14 = arith.constant 1 : i32
    %while3A_15 = arith.divsi %while3A_12, %while3A_14 : i32
    %while3A_16 = arith.muli %while3A_15, %while3A_14 : i32
    %while3A_17 = arith.addi %while3A_11, %while3A_16 : i32
    %while3A_18 = arith.constant 1 : i32
    scf.for %while3A_25 = %while3A_11 to %while3A_17 step %while3A_18  : i32 {
      "tpu.region"() ({
        %run_scoped3A = tpu.sem_alloc : memref<!tpu.dma_semaphore, #tpu.memory_space<semaphore_mem>>
        %dma_start3A = arith.constant 0 : i32
        %dma_start3A_26 = tpu.memref_slice %arg9[%while3A_25, %dma_start3A] : memref<102x128xi32, #tpu.memory_space<vmem>> -> memref<1x128xi32, #tpu.memory_space<vmem>>
        %dma_start3A_27 = tpu.memref_squeeze %dma_start3A_26 : memref<1x128xi32, #tpu.memory_space<vmem>> -> memref<128xi32, #tpu.memory_space<vmem>>
        %dma_start3A_28 = arith.constant 0 : i32
        %dma_start3A_29 = arith.constant 0 : i32
        %dma_start3A_30 = tpu.memref_slice %arg6[%dma_start3A_28, %dma_start3A_29] : memref<10240x128xf32, #tpu.memory_space<hbm>> -> memref<10240x128xf32, #tpu.memory_space<hbm>>
        tpu.enqueue_indirect_dma source(%dma_start3A_30 : memref<10240x128xf32, #tpu.memory_space<hbm>>) target(%arg11 : memref<128x128xf32, #tpu.memory_space<vmem>>) offsets(%dma_start3A_27 : memref<128xi32, #tpu.memory_space<vmem>>) semaphore(%run_scoped3A : memref<!tpu.dma_semaphore, #tpu.memory_space<semaphore_mem>>)
        %dma_wait3A = arith.constant 0 : i32
        %dma_wait3A_31 = tpu.memref_slice %arg9[%while3A_25, %dma_wait3A] : memref<102x128xi32, #tpu.memory_space<vmem>> -> memref<1x128xi32, #tpu.memory_space<vmem>>
        %dma_wait3A_32 = tpu.memref_squeeze %dma_wait3A_31 : memref<1x128xi32, #tpu.memory_space<vmem>> -> memref<128xi32, #tpu.memory_space<vmem>>
        %dma_wait3A_33 = arith.constant 0 : i32
        %dma_wait3A_34 = arith.constant 0 : i32
        %dma_wait3A_35 = tpu.memref_slice %arg6[%dma_wait3A_33, %dma_wait3A_34] : memref<10240x128xf32, #tpu.memory_space<hbm>> -> memref<10240x128xf32, #tpu.memory_space<hbm>>
        tpu.wait_indirect_dma semaphore(%run_scoped3A : memref<!tpu.dma_semaphore, #tpu.memory_space<semaphore_mem>>) src(%dma_wait3A_35 : memref<10240x128xf32, #tpu.memory_space<hbm>>) dst(%arg11 : memref<128x128xf32, #tpu.memory_space<vmem>>)
        tpu.yield
      }) : () -> ()
      "tpu.region"() ({
        %run_scoped3A = tpu.sem_alloc : memref<!tpu.dma_semaphore, #tpu.memory_space<semaphore_mem>>
        %dma_start3A = arith.constant 0 : i32
        %dma_start3A_26 = tpu.memref_slice %arg10[%while3A_25, %dma_start3A] : memref<102x128xi32, #tpu.memory_space<vmem>> -> memref<1x128xi32, #tpu.memory_space<vmem>>
        %dma_start3A_27 = tpu.memref_squeeze %dma_start3A_26 : memref<1x128xi32, #tpu.memory_space<vmem>> -> memref<128xi32, #tpu.memory_space<vmem>>
        %dma_start3A_28 = arith.constant 0 : i32
        %dma_start3A_29 = arith.constant 0 : i32
        %dma_start3A_30 = tpu.memref_slice %arg12[%dma_start3A_28, %dma_start3A_29] : memref<10240x128xf32, #tpu.memory_space<vmem_shared>> -> memref<10240x128xf32, #tpu.memory_space<vmem_shared>>
        tpu.enqueue_indirect_dma source(%arg11 : memref<128x128xf32, #tpu.memory_space<vmem>>) target(%dma_start3A_30 : memref<10240x128xf32, #tpu.memory_space<vmem_shared>>) offsets(%dma_start3A_27 : memref<128xi32, #tpu.memory_space<vmem>>) semaphore(%run_scoped3A : memref<!tpu.dma_semaphore, #tpu.memory_space<semaphore_mem>>) {add = true}
        %dma_wait3A = arith.constant 0 : i32
        %dma_wait3A_31 = tpu.memref_slice %arg10[%while3A_25, %dma_wait3A] : memref<102x128xi32, #tpu.memory_space<vmem>> -> memref<1x128xi32, #tpu.memory_space<vmem>>
        %dma_wait3A_32 = tpu.memref_squeeze %dma_wait3A_31 : memref<1x128xi32, #tpu.memory_space<vmem>> -> memref<128xi32, #tpu.memory_space<vmem>>
        %dma_wait3A_33 = arith.constant 0 : i32
        %dma_wait3A_34 = arith.constant 0 : i32
        %dma_wait3A_35 = tpu.memref_slice %arg12[%dma_wait3A_33, %dma_wait3A_34] : memref<10240x128xf32, #tpu.memory_space<vmem_shared>> -> memref<10240x128xf32, #tpu.memory_space<vmem_shared>>
        tpu.wait_indirect_dma semaphore(%run_scoped3A : memref<!tpu.dma_semaphore, #tpu.memory_space<semaphore_mem>>) src(%arg11 : memref<128x128xf32, #tpu.memory_space<vmem>>) dst(%dma_wait3A_35 : memref<10240x128xf32, #tpu.memory_space<vmem_shared>>)
        tpu.yield
      }) : () -> ()
    }
    %while3A_19 = arith.constant 1 : i32
    scf.for %while3A_25 = %while3A_17 to %while3A_13 step %while3A_19  : i32 {
      "tpu.region"() ({
        %run_scoped3A = tpu.sem_alloc : memref<!tpu.dma_semaphore, #tpu.memory_space<semaphore_mem>>
        %dma_start3A = arith.constant 0 : i32
        %dma_start3A_26 = tpu.memref_slice %arg9[%while3A_25, %dma_start3A] : memref<102x128xi32, #tpu.memory_space<vmem>> -> memref<1x128xi32, #tpu.memory_space<vmem>>
        %dma_start3A_27 = tpu.memref_squeeze %dma_start3A_26 : memref<1x128xi32, #tpu.memory_space<vmem>> -> memref<128xi32, #tpu.memory_space<vmem>>
        %dma_start3A_28 = arith.constant 0 : i32
        %dma_start3A_29 = arith.constant 0 : i32
        %dma_start3A_30 = tpu.memref_slice %arg6[%dma_start3A_28, %dma_start3A_29] : memref<10240x128xf32, #tpu.memory_space<hbm>> -> memref<10240x128xf32, #tpu.memory_space<hbm>>
        tpu.enqueue_indirect_dma source(%dma_start3A_30 : memref<10240x128xf32, #tpu.memory_space<hbm>>) target(%arg11 : memref<128x128xf32, #tpu.memory_space<vmem>>) offsets(%dma_start3A_27 : memref<128xi32, #tpu.memory_space<vmem>>) semaphore(%run_scoped3A : memref<!tpu.dma_semaphore, #tpu.memory_space<semaphore_mem>>)
        %dma_wait3A = arith.constant 0 : i32
        %dma_wait3A_31 = tpu.memref_slice %arg9[%while3A_25, %dma_wait3A] : memref<102x128xi32, #tpu.memory_space<vmem>> -> memref<1x128xi32, #tpu.memory_space<vmem>>
        %dma_wait3A_32 = tpu.memref_squeeze %dma_wait3A_31 : memref<1x128xi32, #tpu.memory_space<vmem>> -> memref<128xi32, #tpu.memory_space<vmem>>
        %dma_wait3A_33 = arith.constant 0 : i32
        %dma_wait3A_34 = arith.constant 0 : i32
        %dma_wait3A_35 = tpu.memref_slice %arg6[%dma_wait3A_33, %dma_wait3A_34] : memref<10240x128xf32, #tpu.memory_space<hbm>> -> memref<10240x128xf32, #tpu.memory_space<hbm>>
        tpu.wait_indirect_dma semaphore(%run_scoped3A : memref<!tpu.dma_semaphore, #tpu.memory_space<semaphore_mem>>) src(%dma_wait3A_35 : memref<10240x128xf32, #tpu.memory_space<hbm>>) dst(%arg11 : memref<128x128xf32, #tpu.memory_space<vmem>>)
        tpu.yield
      }) : () -> ()
      "tpu.region"() ({
        %run_scoped3A = tpu.sem_alloc : memref<!tpu.dma_semaphore, #tpu.memory_space<semaphore_mem>>
        %dma_start3A = arith.constant 0 : i32
        %dma_start3A_26 = tpu.memref_slice %arg10[%while3A_25, %dma_start3A] : memref<102x128xi32, #tpu.memory_space<vmem>> -> memref<1x128xi32, #tpu.memory_space<vmem>>
        %dma_start3A_27 = tpu.memref_squeeze %dma_start3A_26 : memref<1x128xi32, #tpu.memory_space<vmem>> -> memref<128xi32, #tpu.memory_space<vmem>>
        %dma_start3A_28 = arith.constant 0 : i32
        %dma_start3A_29 = arith.constant 0 : i32
        %dma_start3A_30 = tpu.memref_slice %arg12[%dma_start3A_28, %dma_start3A_29] : memref<10240x128xf32, #tpu.memory_space<vmem_shared>> -> memref<10240x128xf32, #tpu.memory_space<vmem_shared>>
        tpu.enqueue_indirect_dma source(%arg11 : memref<128x128xf32, #tpu.memory_space<vmem>>) target(%dma_start3A_30 : memref<10240x128xf32, #tpu.memory_space<vmem_shared>>) offsets(%dma_start3A_27 : memref<128xi32, #tpu.memory_space<vmem>>) semaphore(%run_scoped3A : memref<!tpu.dma_semaphore, #tpu.memory_space<semaphore_mem>>) {add = true}
        %dma_wait3A = arith.constant 0 : i32
        %dma_wait3A_31 = tpu.memref_slice %arg10[%while3A_25, %dma_wait3A] : memref<102x128xi32, #tpu.memory_space<vmem>> -> memref<1x128xi32, #tpu.memory_space<vmem>>
        %dma_wait3A_32 = tpu.memref_squeeze %dma_wait3A_31 : memref<1x128xi32, #tpu.memory_space<vmem>> -> memref<128xi32, #tpu.memory_space<vmem>>
        %dma_wait3A_33 = arith.constant 0 : i32
        %dma_wait3A_34 = arith.constant 0 : i32
        %dma_wait3A_35 = tpu.memref_slice %arg12[%dma_wait3A_33, %dma_wait3A_34] : memref<10240x128xf32, #tpu.memory_space<vmem_shared>> -> memref<10240x128xf32, #tpu.memory_space<vmem_shared>>
        tpu.wait_indirect_dma semaphore(%run_scoped3A : memref<!tpu.dma_semaphore, #tpu.memory_space<semaphore_mem>>) src(%arg11 : memref<128x128xf32, #tpu.memory_space<vmem>>) dst(%dma_wait3A_35 : memref<10240x128xf32, #tpu.memory_space<vmem_shared>>)
        tpu.yield
      }) : () -> ()
    }
    %barrier3A_20 = arith.constant 0 : index
    tpu.barrier barrier_id(%barrier3A_20)
    %mul3A_21 = arith.constant 640 : i32
    %mul3A_22 = arith.muli %arg1, %mul3A_21 : i32
    %mul3A_23 = arith.constant 640 : i32
    %mul3A_24 = arith.muli %arg1, %mul3A_23 : i32
    "tpu.region"() ({
      %run_scoped3A = tpu.sem_alloc : memref<!tpu.dma_semaphore, #tpu.memory_space<semaphore_mem>>
      %dma_start3A = arith.constant 0 : i32
      %dma_start3A_25 = tpu.memref_slice %arg8[%arg0, %mul3A_24, %dma_start3A] : memref<2x10240x128xf32, #tpu.memory_space<hbm>> -> memref<1x640x128xf32, #tpu.memory_space<hbm>>
      %dma_start3A_26 = tpu.memref_squeeze %dma_start3A_25 : memref<1x640x128xf32, #tpu.memory_space<hbm>> -> memref<640x128xf32, #tpu.memory_space<hbm>>
      %dma_start3A_27 = arith.constant 0 : i32
      %dma_start3A_28 = tpu.memref_slice %arg12[%mul3A_22, %dma_start3A_27] : memref<10240x128xf32, #tpu.memory_space<vmem_shared>> -> memref<640x128xf32, #tpu.memory_space<vmem_shared>>
      tpu.enqueue_dma source(%dma_start3A_28 : memref<640x128xf32, #tpu.memory_space<vmem_shared>>) target(%dma_start3A_26 : memref<640x128xf32, #tpu.memory_space<hbm>>) target_semaphore(%run_scoped3A : memref<!tpu.dma_semaphore, #tpu.memory_space<semaphore_mem>>)
      %dma_wait3A = arith.constant 0 : i32
      %dma_wait3A_29 = tpu.memref_slice %arg8[%arg0, %mul3A_24, %dma_wait3A] : memref<2x10240x128xf32, #tpu.memory_space<hbm>> -> memref<1x640x128xf32, #tpu.memory_space<hbm>>
      %dma_wait3A_30 = tpu.memref_squeeze %dma_wait3A_29 : memref<1x640x128xf32, #tpu.memory_space<hbm>> -> memref<640x128xf32, #tpu.memory_space<hbm>>
      %dma_wait3A_31 = arith.constant 0 : i32
      %dma_wait3A_32 = tpu.memref_slice %arg12[%mul3A_22, %dma_wait3A_31] : memref<10240x128xf32, #tpu.memory_space<vmem_shared>> -> memref<640x128xf32, #tpu.memory_space<vmem_shared>>
      tpu.wait_dma2 semaphore(%run_scoped3A : memref<!tpu.dma_semaphore, #tpu.memory_space<semaphore_mem>>) src(%dma_wait3A_32 : memref<640x128xf32, #tpu.memory_space<vmem_shared>>) dst(%dma_wait3A_30 : memref<640x128xf32, #tpu.memory_space<hbm>>)
      tpu.yield
    }) : () -> ()
    return
  }
}

module attributes {stable_mosaic.version = 14 : i64} {
  func.func @_tc_layer_body(%arg0: i32, %arg1: memref<512x128xf32, #tpu.memory_space<vmem>>, %arg2: memref<512x128xf32, #tpu.memory_space<vmem>>, %arg3: memref<512x128xf32, #tpu.memory_space<vmem>>, %arg4: memref<128x128xf32, #tpu.memory_space<vmem>>, %arg5: memref<1x128xf32, #tpu.memory_space<vmem>>, %arg6: memref<512x128xf32, #tpu.memory_space<vmem>>) attributes {dimension_semantics = [#tpu.dimension_semantics<arbitrary>], iteration_bounds = array<i64: 20>, scalar_prefetch = 0 : i64, scratch_operands = 0 : i64, tpu.core_type = #tpu.core_type<tc>, window_params = [{transform_indices = @transform_0, window_bounds = array<i64: 512, 128>}, {transform_indices = @transform_1, window_bounds = array<i64: 512, 128>}, {transform_indices = @transform_2, window_bounds = array<i64: 512, 128>}, {pipeline_mode = #tpu.pipeline_mode<synchronous>, transform_indices = @transform_3, window_bounds = array<i64: 128, 128>}, {pipeline_mode = #tpu.pipeline_mode<synchronous>, transform_indices = @transform_4, window_bounds = array<i64: 1, 128>}, {transform_indices = @transform_5, window_bounds = array<i64: 512, 128>}]} {
    %get3A = arith.constant 0 : index
    %get3A_0 = arith.constant 0 : index
    %get3A_1 = vector.load %arg1[%get3A, %get3A_0] : memref<512x128xf32, #tpu.memory_space<vmem>>, vector<512x128xf32>
    %get3A_2 = arith.constant 0 : index
    %get3A_3 = arith.constant 0 : index
    %get3A_4 = vector.load %arg2[%get3A_2, %get3A_3] : memref<512x128xf32, #tpu.memory_space<vmem>>, vector<512x128xf32>
    %add3A = arith.addf %get3A_1, %get3A_4 : vector<512x128xf32>
    %get3A_5 = arith.constant 0 : index
    %get3A_6 = arith.constant 0 : index
    %get3A_7 = vector.load %arg3[%get3A_5, %get3A_6] : memref<512x128xf32, #tpu.memory_space<vmem>>, vector<512x128xf32>
    %add3A_8 = arith.addf %add3A, %get3A_7 : vector<512x128xf32>
    %get3A_9 = arith.constant 0 : index
    %get3A_10 = arith.constant 0 : index
    %get3A_11 = vector.load %arg4[%get3A_9, %get3A_10] : memref<128x128xf32, #tpu.memory_space<vmem>>, vector<128x128xf32>
    %dot_general3A = arith.constant dense<0.000000e+00> : vector<512x128xf32>
    %dot_general3A_12 = tpu.matmul %add3A_8, %get3A_11, %dot_general3A {dimension_numbers = #tpu.dot_dimension_numbers<[1], [0], [0], [1], [0, 0, 1, 1], [], []>, transpose_lhs_hint = false} : vector<512x128xf32>, vector<128x128xf32>, vector<512x128xf32> -> vector<512x128xf32>
    %get3A_13 = arith.constant 0 : index
    %get3A_14 = arith.constant 0 : index
    %get3A_15 = vector.load %arg5[%get3A_13, %get3A_14] : memref<1x128xf32, #tpu.memory_space<vmem>>, vector<1x128xf32>
    %add3A_16 = vector.broadcast %get3A_15 : vector<1x128xf32> to vector<512x128xf32>
    %add3A_17 = arith.addf %dot_general3A_12, %add3A_16 : vector<512x128xf32>
    %max3A = arith.constant 0.000000e+00 : f32
    %max3A_18 = vector.broadcast %max3A : f32 to vector<512x128xf32>
    %max3A_19 = arith.maximumf %add3A_17, %max3A_18 : vector<512x128xf32>
    %swap3A = arith.constant 0 : index
    %swap3A_20 = arith.constant 0 : index
    %swap3A_21 = vector.load %arg6[%swap3A, %swap3A_20] : memref<512x128xf32, #tpu.memory_space<vmem>>, vector<512x128xf32>
    tpu.vector_store %arg6[%swap3A, %swap3A_20], %max3A_19 {strides = array<i32>} : memref<512x128xf32, #tpu.memory_space<vmem>>, vector<512x128xf32>,
    return
  }
  func.func @transform_0(%arg0: i32) -> (i32, i32) {
    %c0_i32 = arith.constant 0 : i32
    %c0_i32_0 = arith.constant 0 : i32
    return %arg0, %c0_i32 : i32, i32
  }
  func.func @transform_1(%arg0: i32) -> (i32, i32) {
    %c0_i32 = arith.constant 0 : i32
    %c0_i32_0 = arith.constant 0 : i32
    return %arg0, %c0_i32 : i32, i32
  }
  func.func @transform_2(%arg0: i32) -> (i32, i32) {
    %c0_i32 = arith.constant 0 : i32
    %c0_i32_0 = arith.constant 0 : i32
    return %arg0, %c0_i32 : i32, i32
  }
  func.func @transform_3(%arg0: i32) -> (i32, i32) {
    %c0_i32 = arith.constant 0 : i32
    %c0_i32_0 = arith.constant 0 : i32
    %c0_i32_1 = arith.constant 0 : i32
    return %c0_i32, %c0_i32_0 : i32, i32
  }
  func.func @transform_4(%arg0: i32) -> (i32, i32) {
    %c0_i32 = arith.constant 0 : i32
    %c0_i32_0 = arith.constant 0 : i32
    %c0_i32_1 = arith.constant 0 : i32
    return %c0_i32, %c0_i32_0 : i32, i32
  }
  func.func @transform_5(%arg0: i32) -> (i32, i32) {
    %c0_i32 = arith.constant 0 : i32
    %c0_i32_0 = arith.constant 0 : i32
    return %arg0, %c0_i32 : i32, i32
  }
}

module attributes {stable_mosaic.version = 14 : i64} {
  func.func @_tc_final_body(%arg0: i32, %arg1: memref<512x128xf32, #tpu.memory_space<vmem>>, %arg2: memref<512x128xf32, #tpu.memory_space<vmem>>, %arg3: memref<512x128xf32, #tpu.memory_space<vmem>>, %arg4: memref<128x128xf32, #tpu.memory_space<vmem>>, %arg5: memref<1x128xf32, #tpu.memory_space<vmem>>, %arg6: memref<1x1x512xi32, #tpu.memory_space<vmem>>, %arg7: memref<128x128xf32, #tpu.memory_space<vmem>>, %arg8: memref<1x128xf32, #tpu.memory_space<vmem>>, %arg9: memref<64x128xf32, #tpu.memory_space<vmem>>, %arg10: memref<64x128xf32, #tpu.memory_space<vmem>>, %arg11: memref<64x128xf32, #tpu.memory_space<vmem>>) attributes {dimension_semantics = [#tpu.dimension_semantics<arbitrary>], iteration_bounds = array<i64: 20>, scalar_prefetch = 0 : i64, scratch_operands = 2 : i64, tpu.core_type = #tpu.core_type<tc>, window_params = [{transform_indices = @transform_0, window_bounds = array<i64: 512, 128>}, {transform_indices = @transform_1, window_bounds = array<i64: 512, 128>}, {transform_indices = @transform_2, window_bounds = array<i64: 512, 128>}, {pipeline_mode = #tpu.pipeline_mode<synchronous>, transform_indices = @transform_3, window_bounds = array<i64: 128, 128>}, {pipeline_mode = #tpu.pipeline_mode<synchronous>, transform_indices = @transform_4, window_bounds = array<i64: 1, 128>}, {transform_indices = @transform_5, window_bounds = array<i64: 1, 1, 512>}, {pipeline_mode = #tpu.pipeline_mode<synchronous>, transform_indices = @transform_6, window_bounds = array<i64: 128, 128>}, {pipeline_mode = #tpu.pipeline_mode<synchronous>, transform_indices = @transform_7, window_bounds = array<i64: 1, 128>}, {pipeline_mode = #tpu.pipeline_mode<synchronous>, transform_indices = @transform_8, window_bounds = array<i64: 64, 128>}]} {
    %eq3A = arith.constant 0 : i32
    %eq3A_0 = arith.cmpi eq, %arg0, %eq3A : i32
    %convert_element_type3A = arith.extui %eq3A_0 : i1 to i32
    %cond3A = arith.constant 0 : i32
    %cond3A_1 = arith.cmpi ne, %convert_element_type3A, %cond3A : i32
    scf.if %cond3A_1 {
      %broadcast_in_dim3A_56 = arith.constant 0.000000e+00 : f32
      %broadcast_in_dim3A_57 = vector.broadcast %broadcast_in_dim3A_56 : f32 to vector<64x128xf32>
      %swap3A_58 = arith.constant 0 : index
      %swap3A_59 = arith.constant 0 : index
      %swap3A_60 = vector.load %arg10[%swap3A_58, %swap3A_59] : memref<64x128xf32, #tpu.memory_space<vmem>>, vector<64x128xf32>
      tpu.vector_store %arg10[%swap3A_58, %swap3A_59], %broadcast_in_dim3A_57 {strides = array<i32>} : memref<64x128xf32, #tpu.memory_space<vmem>>, vector<64x128xf32>,
      %broadcast_in_dim3A_61 = arith.constant 0.000000e+00 : f32
      %broadcast_in_dim3A_62 = vector.broadcast %broadcast_in_dim3A_61 : f32 to vector<64x128xf32>
      %swap3A_63 = arith.constant 0 : index
      %swap3A_64 = arith.constant 0 : index
      %swap3A_65 = vector.load %arg11[%swap3A_63, %swap3A_64] : memref<64x128xf32, #tpu.memory_space<vmem>>, vector<64x128xf32>
      tpu.vector_store %arg11[%swap3A_63, %swap3A_64], %broadcast_in_dim3A_62 {strides = array<i32>} : memref<64x128xf32, #tpu.memory_space<vmem>>, vector<64x128xf32>,
    } else {
    }
    %get3A = arith.constant 0 : index
    %get3A_2 = arith.constant 0 : index
    %get3A_3 = vector.load %arg1[%get3A, %get3A_2] : memref<512x128xf32, #tpu.memory_space<vmem>>, vector<512x128xf32>
    %get3A_4 = arith.constant 0 : index
    %get3A_5 = arith.constant 0 : index
    %get3A_6 = vector.load %arg2[%get3A_4, %get3A_5] : memref<512x128xf32, #tpu.memory_space<vmem>>, vector<512x128xf32>
    %add3A = arith.addf %get3A_3, %get3A_6 : vector<512x128xf32>
    %get3A_7 = arith.constant 0 : index
    %get3A_8 = arith.constant 0 : index
    %get3A_9 = vector.load %arg3[%get3A_7, %get3A_8] : memref<512x128xf32, #tpu.memory_space<vmem>>, vector<512x128xf32>
    %add3A_10 = arith.addf %add3A, %get3A_9 : vector<512x128xf32>
    %get3A_11 = arith.constant 0 : index
    %get3A_12 = arith.constant 0 : index
    %get3A_13 = vector.load %arg4[%get3A_11, %get3A_12] : memref<128x128xf32, #tpu.memory_space<vmem>>, vector<128x128xf32>
    %dot_general3A = arith.constant dense<0.000000e+00> : vector<512x128xf32>
    %dot_general3A_14 = tpu.matmul %add3A_10, %get3A_13, %dot_general3A {dimension_numbers = #tpu.dot_dimension_numbers<[1], [0], [0], [1], [0, 0, 1, 1], [], []>, transpose_lhs_hint = false} : vector<512x128xf32>, vector<128x128xf32>, vector<512x128xf32> -> vector<512x128xf32>
    %get3A_15 = arith.constant 0 : index
    %get3A_16 = arith.constant 0 : index
    %get3A_17 = vector.load %arg5[%get3A_15, %get3A_16] : memref<1x128xf32, #tpu.memory_space<vmem>>, vector<1x128xf32>
    %add3A_18 = vector.broadcast %get3A_17 : vector<1x128xf32> to vector<512x128xf32>
    %add3A_19 = arith.addf %dot_general3A_14, %add3A_18 : vector<512x128xf32>
    %max3A = arith.constant 0.000000e+00 : f32
    %max3A_20 = vector.broadcast %max3A : f32 to vector<512x128xf32>
    %max3A_21 = arith.maximumf %add3A_19, %max3A_20 : vector<512x128xf32>
    %get3A_22 = arith.constant 0 : index
    %get3A_23 = arith.constant 0 : index
    %get3A_24 = arith.constant 0 : index
    %get3A_25 = vector.load %arg6[%get3A_22, %get3A_23, %get3A_24] : memref<1x1x512xi32, #tpu.memory_space<vmem>>, vector<1x1x512xi32>
    %get3A_26 = vector.shape_cast %get3A_25 : vector<1x1x512xi32> to vector<512xi32>
    %broadcast_in_dim3A = vector.shape_cast %get3A_26 : vector<512xi32> to vector<512x1xi32>
    %iota3A = tpu.iota {dimensions = array<i32: 1>} : vector<1x64xi32>
    %eq3A_27 = vector.broadcast %broadcast_in_dim3A : vector<512x1xi32> to vector<512x64xi32>
    %eq3A_28 = vector.broadcast %iota3A : vector<1x64xi32> to vector<512x64xi32>
    %eq3A_29 = arith.cmpi eq, %eq3A_27, %eq3A_28 : vector<512x64xi32>
    %convert_element_type3A_30 = arith.extui %eq3A_29 : vector<512x64xi1> to vector<512x64xi32>
    %convert_element_type3A_31 = arith.sitofp %convert_element_type3A_30 : vector<512x64xi32> to vector<512x64xf32>
    %get3A_32 = arith.constant 0 : index
    %get3A_33 = arith.constant 0 : index
    %get3A_34 = vector.load %arg10[%get3A_32, %get3A_33] : memref<64x128xf32, #tpu.memory_space<vmem>>, vector<64x128xf32>
    %dot_general3A_35 = arith.constant dense<0.000000e+00> : vector<64x128xf32>
    %dot_general3A_36 = tpu.matmul %convert_element_type3A_31, %max3A_21, %dot_general3A_35 {dimension_numbers = #tpu.dot_dimension_numbers<[0], [0], [1], [1], [0, 1, 1, 1], [], []>, transpose_lhs_hint = false} : vector<512x64xf32>, vector<512x128xf32>, vector<64x128xf32> -> vector<64x128xf32>
    %add3A_37 = arith.addf %get3A_34, %dot_general3A_36 : vector<64x128xf32>
    %swap3A = arith.constant 0 : index
    %swap3A_38 = arith.constant 0 : index
    %swap3A_39 = vector.load %arg10[%swap3A, %swap3A_38] : memref<64x128xf32, #tpu.memory_space<vmem>>, vector<64x128xf32>
    tpu.vector_store %arg10[%swap3A, %swap3A_38], %add3A_37 {strides = array<i32>} : memref<64x128xf32, #tpu.memory_space<vmem>>, vector<64x128xf32>,
    %get3A_40 = arith.constant 0 : index
    %get3A_41 = arith.constant 0 : index
    %get3A_42 = vector.load %arg11[%get3A_40, %get3A_41] : memref<64x128xf32, #tpu.memory_space<vmem>>, vector<64x128xf32>
    %reduce_sum3A = arith.constant dense<0.000000e+00> : vector<64xf32>
    %reduce_sum3A_43 = vector.multi_reduction <add>, %convert_element_type3A_31, %reduce_sum3A [0] : vector<512x64xf32> to vector<64xf32>
    %broadcast_in_dim3A_44 = vector.shape_cast %reduce_sum3A_43 : vector<64xf32> to vector<64x1xf32>
    %broadcast_in_dim3A_45 = vector.shape_cast %broadcast_in_dim3A_44 : vector<64x1xf32> to vector<64x1xf32>
    %broadcast_in_dim3A_46 = vector.broadcast %broadcast_in_dim3A_45 : vector<64x1xf32> to vector<64x128xf32>
    %add3A_47 = arith.addf %get3A_42, %broadcast_in_dim3A_46 : vector<64x128xf32>
    %swap3A_48 = arith.constant 0 : index
    %swap3A_49 = arith.constant 0 : index
    %swap3A_50 = vector.load %arg11[%swap3A_48, %swap3A_49] : memref<64x128xf32, #tpu.memory_space<vmem>>, vector<64x128xf32>
    tpu.vector_store %arg11[%swap3A_48, %swap3A_49], %add3A_47 {strides = array<i32>} : memref<64x128xf32, #tpu.memory_space<vmem>>, vector<64x128xf32>,
    %eq3A_51 = arith.constant 19 : i32
    %eq3A_52 = arith.cmpi eq, %arg0, %eq3A_51 : i32
    %convert_element_type3A_53 = arith.extui %eq3A_52 : i1 to i32
    %cond3A_54 = arith.constant 0 : i32
    %cond3A_55 = arith.cmpi ne, %convert_element_type3A_53, %cond3A_54 : i32
    scf.if %cond3A_55 {
      %get3A_56 = arith.constant 0 : index
      %get3A_57 = arith.constant 0 : index
      %get3A_58 = vector.load %arg10[%get3A_56, %get3A_57] : memref<64x128xf32, #tpu.memory_space<vmem>>, vector<64x128xf32>
      %get3A_59 = arith.constant 0 : index
      %get3A_60 = arith.constant 0 : index
      %get3A_61 = vector.load %arg11[%get3A_59, %get3A_60] : memref<64x128xf32, #tpu.memory_space<vmem>>, vector<64x128xf32>
      %max3A_62 = arith.constant 1.000000e+00 : f32
      %max3A_63 = vector.broadcast %max3A_62 : f32 to vector<64x128xf32>
      %max3A_64 = arith.maximumf %get3A_61, %max3A_63 : vector<64x128xf32>
      %div3A = arith.divf %get3A_58, %max3A_64 : vector<64x128xf32>
      %get3A_65 = arith.constant 0 : index
      %get3A_66 = arith.constant 0 : index
      %get3A_67 = vector.load %arg7[%get3A_65, %get3A_66] : memref<128x128xf32, #tpu.memory_space<vmem>>, vector<128x128xf32>
      %dot_general3A_68 = arith.constant dense<0.000000e+00> : vector<64x128xf32>
      %dot_general3A_69 = tpu.matmul %div3A, %get3A_67, %dot_general3A_68 {dimension_numbers = #tpu.dot_dimension_numbers<[1], [0], [0], [1], [0, 0, 1, 1], [], []>, transpose_lhs_hint = false} : vector<64x128xf32>, vector<128x128xf32>, vector<64x128xf32> -> vector<64x128xf32>
      %get3A_70 = arith.constant 0 : index
      %get3A_71 = arith.constant 0 : index
      %get3A_72 = vector.load %arg8[%get3A_70, %get3A_71] : memref<1x128xf32, #tpu.memory_space<vmem>>, vector<1x128xf32>
      %add3A_73 = vector.broadcast %get3A_72 : vector<1x128xf32> to vector<64x128xf32>
      %add3A_74 = arith.addf %dot_general3A_69, %add3A_73 : vector<64x128xf32>
      %max3A_75 = arith.constant 0.000000e+00 : f32
      %max3A_76 = vector.broadcast %max3A_75 : f32 to vector<64x128xf32>
      %max3A_77 = arith.maximumf %add3A_74, %max3A_76 : vector<64x128xf32>
      %swap3A_78 = arith.constant 0 : index
      %swap3A_79 = arith.constant 0 : index
      %swap3A_80 = vector.load %arg9[%swap3A_78, %swap3A_79] : memref<64x128xf32, #tpu.memory_space<vmem>>, vector<64x128xf32>
      tpu.vector_store %arg9[%swap3A_78, %swap3A_79], %max3A_77 {strides = array<i32>} : memref<64x128xf32, #tpu.memory_space<vmem>>, vector<64x128xf32>,
    } else {
    }
    return
  }
  func.func @transform_0(%arg0: i32) -> (i32, i32) {
    %c0_i32 = arith.constant 0 : i32
    %c0_i32_0 = arith.constant 0 : i32
    return %arg0, %c0_i32 : i32, i32
  }
  func.func @transform_1(%arg0: i32) -> (i32, i32) {
    %c0_i32 = arith.constant 0 : i32
    %c0_i32_0 = arith.constant 0 : i32
    return %arg0, %c0_i32 : i32, i32
  }
  func.func @transform_2(%arg0: i32) -> (i32, i32) {
    %c0_i32 = arith.constant 0 : i32
    %c0_i32_0 = arith.constant 0 : i32
    return %arg0, %c0_i32 : i32, i32
  }
  func.func @transform_3(%arg0: i32) -> (i32, i32) {
    %c0_i32 = arith.constant 0 : i32
    %c0_i32_0 = arith.constant 0 : i32
    %c0_i32_1 = arith.constant 0 : i32
    return %c0_i32, %c0_i32_0 : i32, i32
  }
  func.func @transform_4(%arg0: i32) -> (i32, i32) {
    %c0_i32 = arith.constant 0 : i32
    %c0_i32_0 = arith.constant 0 : i32
    %c0_i32_1 = arith.constant 0 : i32
    return %c0_i32, %c0_i32_0 : i32, i32
  }
  func.func @transform_5(%arg0: i32) -> (i32, i32, i32) {
    %c0_i32 = arith.constant 0 : i32
    %c0_i32_0 = arith.constant 0 : i32
    %c0_i32_1 = arith.constant 0 : i32
    return %arg0, %c0_i32, %c0_i32_0 : i32, i32, i32
  }
  func.func @transform_6(%arg0: i32) -> (i32, i32) {
    %c0_i32 = arith.constant 0 : i32
    %c0_i32_0 = arith.constant 0 : i32
    %c0_i32_1 = arith.constant 0 : i32
    return %c0_i32, %c0_i32_0 : i32, i32
  }
  func.func @transform_7(%arg0: i32) -> (i32, i32) {
    %c0_i32 = arith.constant 0 : i32
    %c0_i32_0 = arith.constant 0 : i32
    %c0_i32_1 = arith.constant 0 : i32
    return %c0_i32, %c0_i32_0 : i32, i32
  }
  func.func @transform_8(%arg0: i32) -> (i32, i32) {
    %c0_i32 = arith.constant 0 : i32
    %c0_i32_0 = arith.constant 0 : i32
    %c0_i32_1 = arith.constant 0 : i32
    return %c0_i32, %c0_i32_0 : i32, i32
  }
}

</mosaic_0001>

<sc_bundles>
// kernel: kernel.11.cloned.1.call-start
scs
__scs_entry_jumppad:
0x0: {  	(pc) =	sbr.rel $0x88, $3  }
0x1: {  	(tag) =	ssettag $0x0;
	lr =	simm.s32 $0x1  }
0x2: {  	[smem:$0x3F96] =	sst lr;
	_ =	strace $0xD0000000  }
0x3: {  	_ = 	snop  }
0x4: {  	_ = 	snop  }
0x5: {  	_ = 	snop  }
0x6: {  	_ = 	snop  }
0x7: {  	_ = 	snop  }
__scs_overlays_trampoline_lowered:
0x8: {  	[smem:$0x3FA5] =	sst s0  }
0x9: {  	[smem:$0x3FA6] =	sst s1  }
0xa: {  	[smem:$0x3FA7] =	sst s2  }
0xb: {  	[smem:$0x3FA8] =	sst s3  }
0xc: {  	[smem:$0x3FA9] =	sst s4  }
0xd: {  	[smem:$0x3FAA] =	sst s5  }
0xe: {  	[smem:$0x3FAB] =	sst s6  }
0xf: {  	[smem:$0x3FAC] =	sst s7  }
0x10: {  	[smem:$0x3FAD] =	sst s8  }
0x11: {  	[smem:$0x3FAE] =	sst s9;
	s0 =	simm.s32 @!p0 $0x0  }
0x12: {  	s1 =	sld [smem:$0x3F94];
	s0 =	simm.s32 @p0 $0x1  }
0x13: {  	[smem:$0x3FAF] =	sst s0;
	s0 =	simm.s32 @!p1 $0x0  }
0x14: {  	s2 =	sld [smem:$0x3F93];
	s0 =	simm.s32 @p1 $0x1  }
0x15: {  	[smem:$0x3FB0] =	sst s0;
	s0 =	simm.s32 @!p2 $0x0  }
0x16: {  	s3 =	sld [smem:$0x3FDB];
	s0 =	simm.s32 @p2 $0x1  }
0x17: {  	s4 =	simm.s32 $0x1BF5;
	[smem:$0x3FB2] =	sst s0  }
0x18: {  	s0 =	sld [smem:$0x3F95];
	_ =	swait.ge [sflag:s4], $0x0  }
0x19: {  	s7 =	sld [smem:$0x3F96]  }
0x1a: {  	s8 =	sadd.s32 $0xFFFFE003, lr  }
0x1b: {  	s9 =	sadd.s32 $0xFFFFFEF7, lr;
	s5 =	simm.s32 $0xFFFFFFFF;
	p2 =	slt.u32 s8, $0xFFFFF086  }
0x1c: {  	p1 =	slt.u32 s9, $0xF7A;
	s5 =	simm.s32 @!p2 $0x0  }
0x1d: {  	s5 =	simm.s32 @p1 $0x1;
	p0 =	seq.s32 s7, s2  }
0x1e: {  	s7 =	smul.u32 @!p0 $0xF7A, s2;
	p2 =	seq.s32 @!p0 s5, $0x0  }
0x1f: {  	s9 =	smul.u32 $0xF7A, s1;
	s8 =	simm.s32 @!p0 $0x1BF5;
	p2 =	por !p2, p0  }
0x20: {  	[sflag:s8] =	ssyncset.s32 @!p0 $0xFFFFF086;
	s6 =	sadd.s32 @!p0 s3, s7;
	s7 =	simm.s32 @!p0 $0x108  }
0x21: {  	s3 =	sadd.s32 s3, s9;
	s6 =	sadd.s32 @!p0 $0x88, s6;
	s7 =	simm.s32 @p2 $0x1082  }
0x22: {  	[simem:s7], [sflag:s8] =	dma.local @!p0 [hbm:s6], $0xF7A  }
0x23: {  	s9 =	sor.u32 $0xD0000000, s2;
	s6 =	simm.s32 $0x108;
	_ =	swait.ge @!p0 [sflag:s8], $0x0  }
0x24: {  	s3 =	sadd.s32 $0x88, s3;
	s6 =	simm.s32 @!p1 $0x1082;
	[sflag:s4] =	ssyncset.s32 $0xFFFFF086  }
0x25: {  	[simem:s6], [sflag:s4] =	dma.local [hbm:s3], $0xF7A  }
0x26: {  	[smem:$0x3F96] =	sst s1;
	(tag) =	ssettag s2;
	_ =	strace s9  }
0x27: {  	s1 =	sld [smem:$0x3FA6]  }
0x28: {  	s2 =	sld [smem:$0x3FA7]  }
0x29: {  	s4 =	sld [smem:$0x3FA9]  }
0x2a: {  	p0 =	seq.s32 s5, $0x0;
	s5 =	sld [smem:$0x3FAA]  }
0x2b: {  	s6 =	sld [smem:$0x3FAB]  }
0x2c: {  	s7 =	sld [smem:$0x3FAC]  }
0x2d: {  	s3 =	simm.s32 $0x108;
	s8 =	sld [smem:$0x3FAD]  }
0x2e: {  	s3 =	simm.s32 @!p0 $0x1082;
	s9 =	sld [smem:$0x3FAE]  }
0x2f: {  	lr =	sadd.s32 s0, s3;
	s0 =	sld [smem:$0x3FA5]  }
0x30: {  	s3 =	sld [smem:$0x3FA8]  }
0x31: {  	[smem:$0x3FB1] =	sst s10  }
0x32: {  	s10 =	sld [smem:$0x3FAF];
	_ =	sdelay $0x3  }
0x33: {  	p0 =	seq.s32 s10, $0x1;
	s10 =	sld [smem:$0x3FB1];
	_ =	sdelay $0x3  }
0x34: {  	[smem:$0x3FB1] =	sst s10  }
0x35: {  	s10 =	sld [smem:$0x3FB0];
	_ =	sdelay $0x3  }
0x36: {  	p1 =	seq.s32 s10, $0x1;
	s10 =	sld [smem:$0x3FB1];
	_ =	sdelay $0x3  }
0x37: {  	[smem:$0x3FB1] =	sst s10  }
0x38: {  	s10 =	sld [smem:$0x3FB2]  }
0x39: {  	_ = 	snop;
	(pc) =	sbr.ind lr, $3  }
0x3a: {  	_ = 	snop  }
0x3b: {  	_ = 	snop  }
0x3c: {  	p2 =	seq.s32 s10, $0x1;
	s10 =	sld [smem:$0x3FB1]  }
0x3d: {  	_ =	shalt  }
0x3e: {  	_ =	shalt  }
0x3f: {  	_ =	shalt  }
0x40: {  	_ =	shalt  }
0x41: {  	_ =	shalt  }
0x42: {  	_ =	shalt  }
0x43: {  	_ =	shalt  }
0x44: {  	_ =	shalt  }
0x45: {  	_ =	shalt  }
0x46: {  	_ =	shalt  }
0x47: {  	_ =	shalt  }
0x48: {  	_ =	shalt  }
0x49: {  	_ =	shalt  }
0x4a: {  	_ =	shalt  }
0x4b: {  	_ =	shalt  }
0x4c: {  	_ =	shalt  }
0x4d: {  	_ =	shalt  }
0x4e: {  	_ =	shalt  }
0x4f: {  	_ =	shalt  }
0x50: {  	_ =	shalt  }
0x51: {  	_ =	shalt  }
0x52: {  	_ =	shalt  }
0x53: {  	_ =	shalt  }
0x54: {  	_ =	shalt  }
0x55: {  	_ =	shalt  }
0x56: {  	_ =	shalt  }
0x57: {  	_ =	shalt  }
0x58: {  	_ =	shalt  }
0x59: {  	_ =	shalt  }
0x5a: {  	_ =	shalt  }
0x5b: {  	_ =	shalt  }
0x5c: {  	_ =	shalt  }
0x5d: {  	_ =	shalt  }
0x5e: {  	_ =	shalt  }
0x5f: {  	_ =	shalt  }
0x60: {  	_ =	shalt  }
0x61: {  	_ =	shalt  }
0x62: {  	_ =	shalt  }
0x63: {  	_ =	shalt  }
0x64: {  	_ =	shalt  }
0x65: {  	_ =	shalt  }
0x66: {  	_ =	shalt  }
0x67: {  	_ =	shalt  }
0x68: {  	_ =	shalt  }
0x69: {  	_ =	shalt  }
0x6a: {  	_ =	shalt  }
0x6b: {  	_ =	shalt  }
0x6c: {  	_ =	shalt  }
0x6d: {  	_ =	shalt  }
0x6e: {  	_ =	shalt  }
0x6f: {  	_ =	shalt  }
0x70: {  	_ =	shalt  }
0x71: {  	_ =	shalt  }
0x72: {  	_ =	shalt  }
0x73: {  	_ =	shalt  }
0x74: {  	_ =	shalt  }
0x75: {  	_ =	shalt  }
0x76: {  	_ =	shalt  }
0x77: {  	_ =	shalt  }
0x78: {  	_ =	shalt  }
0x79: {  	_ =	shalt  }
0x7a: {  	_ =	shalt  }
0x7b: {  	_ =	shalt  }
0x7c: {  	_ =	shalt  }
0x7d: {  	_ =	shalt  }
0x7e: {  	_ =	shalt  }
0x7f: {  	_ =	shalt  }
0x80: {  	_ =	shalt  }
0x81: {  	_ =	shalt  }
0x82: {  	_ =	shalt  }
0x83: {  	_ =	shalt  }
0x84: {  	_ =	shalt  }
0x85: {  	_ =	shalt  }
0x86: {  	_ =	shalt  }
0x87: {  	_ =	shalt  }
.Lfunc_end0:
.L_simem_size_0:
called_computation.1_lowered:
.L_overlay_start_0:
0x88: {  	s2 =	sld [smem:$0x3FD9]  }
0x89: {  	s3 =	sld [smem:$0x3FFE];
	_ =	sdelay $0x1  }
0x8a: {  	s1 =	srdreg.scid  }
0x8b: {  	s0 =	sand.u32 $0x1, s1  }
0x8c: {  	s16 =	sshll.u32 s0, $0xA;
	s2 =	sadd.s32 s3, s2  }
0x8d: {  	s2 =	sadd.s32 s2, s16  }
0x8e: {  	[smem:$0x3FBD] =	sst s2  }
0x8f: {  	_ = 	snop  }
0x90: {  	(tm) =	ssettm $0x1  }
0x91: {  	s17 =	sld [smem:$0x3FFB];
	_ =	sdelay $0x3  }
0x92: {  	_ =	strace s17  }
0x93: {  	s2 =	sld [smem:$0x3FFC];
	_ =	sdelay $0x3  }
0x94: {  	_ =	strace s2  }
0x95: {  	s2 =	sld [smem:$0x3FFD];
	_ =	sdelay $0x3  }
0x96: {  	_ =	strace s2  }
0x97: {  	_ =	strace $0x8FFFFFFF  }
0x98: {  	s18 =	sld [smem:$0x3FDB];
	_ =	sdelay $0x1  }
0x99: {  	s19 =	simm.s32 $_scs_section_size  }
0x9a: {  	s4 =	simm.s32 $_size__tile_overlayer_lowered;
	s5 =	simm.s32 $_tile_overlayer_lowered  }
0x9b: {  	s22 =	simm.s32 $0x1BFF;
	s21 =	sshll.u32 s5, $0x1;
	s2 =	sadd.s32 s19, s18  }
0x9c: {  	s6 =	simm.s32 $0x0;
	s20 =	sshll.u32 s4, $0x1;
	s4 =	sadd.s32 s21, s2  }
0x9d: {  	[timem:s6], [sflag:s22] =	dma.local [hbm:s4], s20  }
0x9e: {  	_ =	swait.ge [sflag:s22], s20  }
0x9f: {  	s3 =	ssub.s32 $0x0, s20;
	[sflag:s22] =	ssyncset.done $0x0  }
0xa0: {  	[sflag:s22] =	ssyncadd.s32 s3;
	_ =	sdelay $0x1  }
0xa1: {  	s23 =	simm.s32 $0x1B8B  }
0xa2: {  	_ =	swait.ge [sflag:s23], $0x1  }
0xa3: {  	[sflag:s23] =	ssyncset.done $0x0  }
0xa4: {  	s25 =	simm.s32 $0x1B8E;
	s24 =	sld [smem:$0x3FFE];
	[sflag:s23] =	ssyncadd.s32 $0xFFFFFFFF  }
0xa5: {  	s26 =	simm.s32 $execute0_lowered;
	[smem:$0x3FD2] =	sst s25  }
0xa6: {  	s4 =	sshll.u32 s26, $0x1;
	_ =	strace $0x80000049;
	[dreg:$0x1] =	wrdreg $0xFFFFFFFF  }
0xa7: {  	s28 =	simm.s32 $_size_execute0_lowered;
	s2 =	sadd.s32 s2, s4;
	[dreg:$0x0] =	wrdreg $0x0  }
0xa8: {  	s4 =	sshll.u32 s28, $0x1;
	[dreg:$0x2] =	wrdreg s2  }
0xa9: {  	[dreg:$0x3] =	wrdreg s4  }
0xaa: {  	[dreg:$0x4] =	wrdreg $0xC0  }
0xab: {  	_ =	task [dreg:s6], $0x5FFFF  }
0xac: {  	[dreg:$0x1] =	wrdreg $0xFFFFFFFF  }
0xad: {  	[dreg:$0x0] =	wrdreg $0x60  }
0xae: {  	[dreg:$0x2] =	wrdreg s24  }
0xaf: {  	[dreg:$0x3] =	wrdreg $0xA8000  }
0xb0: {  	[dreg:$0x4] =	wrdreg $0x9  }
0xb1: {  	_ =	task.clear_ibuf [dreg:s6], $0x5FFFF;
	_ =	strace $0x90000049  }
0xb2: {  	s29 =	simm.s32 $0x9;
	_ =	strace $0x8000004B  }
0xb3: {  	_ =	swait.ge [sflag:s29], $0x1  }
0xb4: {  	[sflag:s29] =	ssyncadd.s32 $0xFFFFFFFF  }
0xb5: {  	_ =	strace $0x9000004B  }
0xb6: {  	_ =	sfence  }
0xb7: {  	s30 =	sld [smem:$0x0];
	_ =	sdelay $0x2  }
0xb8: {  	s31 =	sshll.u32 s1, $0xD;
	s1 =	sshrl.u32 s1, $0x2  }
0xb9: {  	s3 =	sand.u32 $0x4000, s31;
	s1 =	sadd.s32 s1, s30  }
0xba: {  	s0 =	sor.u32 s3, s0;
	s1 =	sshll.u32 s1, $0x11  }
0xbb: {  	s0 =	sor.u32 s1, s0  }
0xbc: {  	s0 =	sadd.s32 $0x8F2B, s0  }
0xbd: {  	[sflag:s0] =	ssyncadd.remote.s32 $0x1  }
0xbe: {  	_ =	sfence.sel $0xFFFF  }
0xbf: {  	[dreg:$0x0] =	wrdreg $0xFFFFFFFF;
	(pc) =	sbr.abs _section_cstart, $3  }
0xc0: {  	[dreg:$0x1] =	wrdreg $0xFFFFFFFF  }
0xc1: {  	_ =	task.clear_ibuf [dreg:s6], $0x2FFFF;
	_ =	strace $0x9FFFFFFF  }
0xc2: {  	(tm) =	ssettm $0x7FFFFFFF  }
0xc3: {  	_ =	shalt  }
tec
execute0_lowered:
.L_overlay_start_1:
0x0: {  	(tag) =	ssettag $0x1  }
0x1: {  	s6 =	rddreg [dreg:$0x0];
	s0 =	stileid.u32  }
0x2: {  	s1 =	srdreg.scid;
	s4 =	smul.u32 $0x680, s0  }
0x3: {  	s2 =	rddreg [dreg:$0x1];
	s3 =	simm.s32 $0x0;
	s5 =	smul.u32 $0x380, s0  }
0x4: {  	s16 =	simm.s32 $0x6800;
	s17 =	simm.s32 $0x0;
	s8 =	smul.u32 $0x14000, s0  }
0x5: {  	s13 =	sand.u32 $0x1, s1;
	s1 =	rddreg [dreg:$0x2];
	s29 =	smul.u32 $0x50000, s0  }
0x6: {  	[smem:$0x7FF] =	sst s3;
	s12 =	sshll.u32 s0, $0x6;
	s7 =	smul.u32 $0x140000, s13  }
0x7: {  	_ =	strace $0x8000004A;
	s30 =	ssub.s32 $0x2, s13;
	p0 =	sne.s32 s13, $0x0  }
0x8: {  	s10 =	sadd.s32 s4, s6;
	s9 =	sadd.s32 s5, s6;
	s4 =	sadd.s32 $0x10400, s6  }
0x9: {  	s5 =	sadd.s32 $0x3F400, s6;
	s31 =	sshrl.u32 s30, $0x1;
	s28 =	sadd.s32 s8, s7  }
0xa: {  	s8 =	sshrl.u32 s29, $0x2;
	s14 =	ssub.s32 s30, s31;
	s7 =	sshrl.u32 s28, $0x3  }
0xb: {  	s15 =	sadd.s32 s8, s2;
	s8 =	sadd.s32 $0x3BC00, s9;
	s11 =	sadd.s32 s7, s6  }
0xc: {  	s6 =	sor.u32 $0x1C01, s12;
	s7 =	sadd.s32 $0x38400, s9;
	s9 =	sadd.s32 $0x9C00, s10  }
0xd: {  	s10 =	sadd.s32 $0x3400, s10;
	s12 =	smax.u32 s14, $0x1;
	s13 =	sshrl.u32 s15, $0x3  }
0xe: {  	s14 =	simm.s32 $0x1;
	s15 =	simm.s32 $0x80;
	s11 =	sadd.s32 $0x41C00, s11  }
.LBB2_1:
0xf: {  	[spmem:s13], [sflag:s6] =	dma.local [hbm:s5], $0x2800  }
0x10: {  	_ =	swait.ge [sflag:s14], $0x2800  }
0x11: {  	[sflag:s14] =	ssyncset.done $0x0  }
0x12: {  	s18 =	simm.s32 @p0 $0x0;
	s19 =	simm.s32 @p0 $0x1;
	[sflag:s14] =	ssyncadd.s32 $0xFFFFD800  }
0x13: {  	[tilespmem:s18], [sflag:$0x1] =	stream.linear.gather @p0 [hbm4b:s7+s18], $0x1C00, $0x38;
	[tilespmem:$0x1E800] =	vst v63  }
0x14: {  	_ =	swait.ge @p0 [sflag:s19], $0x1C00  }
0x15: {  	[sflag:s19] =	ssyncset.done @p0 $0x0  }
0x16: {  	s20 =	simm.s32 @p0 $0x3400;
	[sflag:s19] =	ssyncadd.s32 @p0 $0xFFFFE400  }
0x17: {  	[tilespmem:s20], [sflag:$0x1] =	stream.linear.gather @p0 [hbm4b:s8+s18], $0x1C00, $0x38;
	[tilespmem:$0x1E800] =	vst v63  }
0x18: {  	_ =	swait.ge @p0 [sflag:s19], $0x1C00  }
0x19: {  	[sflag:s19] =	ssyncset.done @p0 $0x0  }
0x1a: {  	s18 =	simm.s32 @!p0 $0x0;
	[sflag:s19] =	ssyncadd.s32 @p0 $0xFFFFE400;
	s19 =	simm.s32 @!p0 $0x1  }
0x1b: {  	[tilespmem:s18], [sflag:$0x1] =	stream.linear.gather @!p0 [hbm4b:s9+s18], $0x3300, $0x38;
	[tilespmem:$0x1E800] =	vst v63  }
0x1c: {  	_ =	swait.ge @!p0 [sflag:s19], $0x3300  }
0x1d: {  	[sflag:s19] =	ssyncset.done @!p0 $0x0  }
0x1e: {  	s20 =	simm.s32 @!p0 $0x3400;
	[sflag:s19] =	ssyncadd.s32 @!p0 $0xFFFFCD00  }
0x1f: {  	[tilespmem:s20], [sflag:$0x1] =	stream.linear.gather @!p0 [hbm4b:s10+s18], $0x3300, $0x38;
	[tilespmem:$0x1E800] =	vst v63  }
0x20: {  	_ =	swait.ge @!p0 [sflag:s19], $0x3300  }
0x21: {  	[sflag:s19] =	ssyncset.done @!p0 $0x0  }
0x22: {  	[sflag:s19] =	ssyncadd.s32 @!p0 $0xFFFFCD00;
	s19 =	simm.s32 @!p0 $0x66  }
0x23: {  	[bflag:$0x0] =	sbarrier.arrive $0xFFFF;
	s19 =	simm.s32 @p0 $0x38  }
0x24: {  	[tilespmem:s16], [sflag:$0x1] =	stream.indirect.gather [hbm4b:s4+s15], $0x80, s3, s15, $0xb8;
	[tilespmem:$0x1E800] =	vst v63  }
0x25: {  	p1 =	sne.s32 s19, $0x1;
	_ =	swait.ge [sflag:s14], $0x4000  }
.Ltmp0:
0x26: {  	[sflag:s14] =	ssyncset.done $0x0;
	(pc) =	sbr.rel @!p1 .LBB2_3-.Ltmp0, $4  }
0x27: {  	s18 =	simm.s32 $0x3400;
	[sflag:s14] =	ssyncadd.s32 $0xFFFFC000  }
0x28: {  	[spmem:s2] =	stream.indirect.scatter.add.f32 [tilespmem:s16], [sflag:$0x1], $0x80, s18, s15, $0xb8;
	[tilespmem:$0x1E800] =	vst v63  }
0x29: {  	_ =	swait.ge [sflag:s14], $0x4000  }
0x2a: {  	s20 =	simm.s32 $0x0;
	s19 =	sadd.s32 $0xFFFFFFFF, s19;
	[sflag:s14] =	ssyncset.done $0x0  }
.LBB2_2:
0x2b: {  	[sflag:s14] =	ssyncadd.s32 $0xFFFFC000;
	s20 =	sadd.s32 $0x80, s20;
	s18 =	sadd.s32 $0x80, s18  }
0x2c: {  	[tilespmem:s16], [sflag:$0x1] =	stream.indirect.gather [hbm4b:s4+s15], $0x80, s20, s15, $0xb8;
	[tilespmem:$0x1E800] =	vst v63  }
0x2d: {  	p1 =	sne.s32 s19, $0x1;
	s19 =	sadd.s32 $0xFFFFFFFF, s19;
	_ =	swait.ge [sflag:s14], $0x4000  }
.Ltmp1:
0x2e: {  	[sflag:s14] =	ssyncset.done $0x0;
	(pc) =	sbr.rel @p1 .LBB2_2-.Ltmp1, $4  }
0x2f: {  	[sflag:s14] =	ssyncadd.s32 $0xFFFFC000  }
0x30: {  	[spmem:s2] =	stream.indirect.scatter.add.f32 [tilespmem:s16], [sflag:$0x1], $0x80, s18, s15, $0xb8;
	[tilespmem:$0x1E800] =	vst v63  }
0x31: {  	_ =	swait.ge [sflag:s14], $0x4000  }
0x32: {  	[sflag:s14] =	ssyncset.done $0x0  }
.LBB2_3:
0x33: {  	s17 =	sadd.s32 $0x1, s17  }
0x34: {  	[sflag:s14] =	ssyncadd.s32 $0xFFFFC000;
	p1 =	sne.s32 s17, s12  }
.Ltmp2:
0x35: {  	[bflag:$0x0] =	sbarrier.arrive $0xFFFF;
	(pc) =	sbr.rel @p1 .LBB2_1-.Ltmp2, $4  }
0x36: {  	[hbm:s11], [sflag:s6] =	dma.local [spmem:s13], $0x2800  }
0x37: {  	_ =	swait.ge [sflag:s14], $0x2800  }
0x38: {  	[sflag:s14] =	ssyncset.done $0x0  }
0x39: {  	[sflag:s14] =	ssyncadd.s32 $0xFFFFD800  }
0x3a: {  	_ =	sfence.sel $0x180000  }
0x3b: {  	[bflag:$0x0] =	sbarrier.arrive $0xFFFF  }
0x3c: {  	p0 =	sne.s32 s0, $0x0;
	_ =	strace $0x9000004A  }
0x3d: {  	s0 =	sadd.s32 @!p0 $0x100000, s1;
	[bflag:$0x2] =	sbarrier.arrive $0xFFFF  }
0x3e: {  	[sflag:s0] =	ssyncadd.tile.s32 @!p0 $0x1;
	_ =	shalt  }
.Lfunc_end2:
_tile_overlayer_lowered:
.L_overlay_start_2:
0x3f: {  	(tag) =	ssettag $0x2  }
0x40: {  	s0 =	rddreg [dreg:$0x0];
	s2 =	stileid.u32  }
0x41: {  	s1 =	rddreg [dreg:$0x1];
	p0 =	sne.s32 s2, $0x0  }
0x42: {  	s3 =	rddreg [dreg:$0x2];
	[bflag:$0x3] =	sbarrier.arrive $0xFFFF;
	s2 =	simm.s32 @!p0 $0x1C01  }
0x43: {  	[timem:s3], [sflag:s2] =	dma.local @!p0 [hbm:s0], s1  }
0x44: {  	s0 =	simm.s32 @!p0 $0x1  }
0x45: {  	_ =	swait.ge @!p0 [sflag:s0], s1  }
0x46: {  	s1 =	ssub.s32 @!p0 $0x0, s1;
	[sflag:s0] =	ssyncset.done @!p0 $0x0  }
0x47: {  	[sflag:s0] =	ssyncadd.s32 @!p0 s1  }
0x48: {  	[bflag:$0x3] =	sbarrier.arrive $0xFFFF  }
0x49: {  	_ =	shalt  }

// kernel: kernel.14.cloned.1.call-start
scs
__scs_entry_jumppad:
0x0: {  	(pc) =	sbr.rel $0x88, $3  }
0x1: {  	(tag) =	ssettag $0x0;
	lr =	simm.s32 $0x1  }
0x2: {  	[smem:$0x3F96] =	sst lr;
	_ =	strace $0xD0000000  }
0x3: {  	_ = 	snop  }
0x4: {  	_ = 	snop  }
0x5: {  	_ = 	snop  }
0x6: {  	_ = 	snop  }
0x7: {  	_ = 	snop  }
__scs_overlays_trampoline_lowered:
0x8: {  	[smem:$0x3FA5] =	sst s0  }
0x9: {  	[smem:$0x3FA6] =	sst s1  }
0xa: {  	[smem:$0x3FA7] =	sst s2  }
0xb: {  	[smem:$0x3FA8] =	sst s3  }
0xc: {  	[smem:$0x3FA9] =	sst s4  }
0xd: {  	[smem:$0x3FAA] =	sst s5  }
0xe: {  	[smem:$0x3FAB] =	sst s6  }
0xf: {  	[smem:$0x3FAC] =	sst s7  }
0x10: {  	[smem:$0x3FAD] =	sst s8  }
0x11: {  	[smem:$0x3FAE] =	sst s9;
	s0 =	simm.s32 @!p0 $0x0  }
0x12: {  	s1 =	sld [smem:$0x3F94];
	s0 =	simm.s32 @p0 $0x1  }
0x13: {  	[smem:$0x3FAF] =	sst s0;
	s0 =	simm.s32 @!p1 $0x0  }
0x14: {  	s2 =	sld [smem:$0x3F93];
	s0 =	simm.s32 @p1 $0x1  }
0x15: {  	[smem:$0x3FB0] =	sst s0;
	s0 =	simm.s32 @!p2 $0x0  }
0x16: {  	s3 =	sld [smem:$0x3FDB];
	s0 =	simm.s32 @p2 $0x1  }
0x17: {  	s4 =	simm.s32 $0x1BF5;
	[smem:$0x3FB2] =	sst s0  }
0x18: {  	s0 =	sld [smem:$0x3F95];
	_ =	swait.ge [sflag:s4], $0x0  }
0x19: {  	s7 =	sld [smem:$0x3F96]  }
0x1a: {  	s8 =	sadd.s32 $0xFFFFE003, lr  }
0x1b: {  	s9 =	sadd.s32 $0xFFFFFEF7, lr;
	s5 =	simm.s32 $0xFFFFFFFF;
	p2 =	slt.u32 s8, $0xFFFFF086  }
0x1c: {  	p1 =	slt.u32 s9, $0xF7A;
	s5 =	simm.s32 @!p2 $0x0  }
0x1d: {  	s5 =	simm.s32 @p1 $0x1;
	p0 =	seq.s32 s7, s2  }
0x1e: {  	s7 =	smul.u32 @!p0 $0xF7A, s2;
	p2 =	seq.s32 @!p0 s5, $0x0  }
0x1f: {  	s9 =	smul.u32 $0xF7A, s1;
	s8 =	simm.s32 @!p0 $0x1BF5;
	p2 =	por !p2, p0  }
0x20: {  	[sflag:s8] =	ssyncset.s32 @!p0 $0xFFFFF086;
	s6 =	sadd.s32 @!p0 s3, s7;
	s7 =	simm.s32 @!p0 $0x108  }
0x21: {  	s3 =	sadd.s32 s3, s9;
	s6 =	sadd.s32 @!p0 $0x88, s6;
	s7 =	simm.s32 @p2 $0x1082  }
0x22: {  	[simem:s7], [sflag:s8] =	dma.local @!p0 [hbm:s6], $0xF7A  }
0x23: {  	s9 =	sor.u32 $0xD0000000, s2;
	s6 =	simm.s32 $0x108;
	_ =	swait.ge @!p0 [sflag:s8], $0x0  }
0x24: {  	s3 =	sadd.s32 $0x88, s3;
	s6 =	simm.s32 @!p1 $0x1082;
	[sflag:s4] =	ssyncset.s32 $0xFFFFF086  }
0x25: {  	[simem:s6], [sflag:s4] =	dma.local [hbm:s3], $0xF7A  }
0x26: {  	[smem:$0x3F96] =	sst s1;
	(tag) =	ssettag s2;
	_ =	strace s9  }
0x27: {  	s1 =	sld [smem:$0x3FA6]  }
0x28: {  	s2 =	sld [smem:$0x3FA7]  }
0x29: {  	s4 =	sld [smem:$0x3FA9]  }
0x2a: {  	p0 =	seq.s32 s5, $0x0;
	s5 =	sld [smem:$0x3FAA]  }
0x2b: {  	s6 =	sld [smem:$0x3FAB]  }
0x2c: {  	s7 =	sld [smem:$0x3FAC]  }
0x2d: {  	s3 =	simm.s32 $0x108;
	s8 =	sld [smem:$0x3FAD]  }
0x2e: {  	s3 =	simm.s32 @!p0 $0x1082;
	s9 =	sld [smem:$0x3FAE]  }
0x2f: {  	lr =	sadd.s32 s0, s3;
	s0 =	sld [smem:$0x3FA5]  }
0x30: {  	s3 =	sld [smem:$0x3FA8]  }
0x31: {  	[smem:$0x3FB1] =	sst s10  }
0x32: {  	s10 =	sld [smem:$0x3FAF];
	_ =	sdelay $0x3  }
0x33: {  	p0 =	seq.s32 s10, $0x1;
	s10 =	sld [smem:$0x3FB1];
	_ =	sdelay $0x3  }
0x34: {  	[smem:$0x3FB1] =	sst s10  }
0x35: {  	s10 =	sld [smem:$0x3FB0];
	_ =	sdelay $0x3  }
0x36: {  	p1 =	seq.s32 s10, $0x1;
	s10 =	sld [smem:$0x3FB1];
	_ =	sdelay $0x3  }
0x37: {  	[smem:$0x3FB1] =	sst s10  }
0x38: {  	s10 =	sld [smem:$0x3FB2]  }
0x39: {  	_ = 	snop;
	(pc) =	sbr.ind lr, $3  }
0x3a: {  	_ = 	snop  }
0x3b: {  	_ = 	snop  }
0x3c: {  	p2 =	seq.s32 s10, $0x1;
	s10 =	sld [smem:$0x3FB1]  }
0x3d: {  	_ =	shalt  }
0x3e: {  	_ =	shalt  }
0x3f: {  	_ =	shalt  }
0x40: {  	_ =	shalt  }
0x41: {  	_ =	shalt  }
0x42: {  	_ =	shalt  }
0x43: {  	_ =	shalt  }
0x44: {  	_ =	shalt  }
0x45: {  	_ =	shalt  }
0x46: {  	_ =	shalt  }
0x47: {  	_ =	shalt  }
0x48: {  	_ =	shalt  }
0x49: {  	_ =	shalt  }
0x4a: {  	_ =	shalt  }
0x4b: {  	_ =	shalt  }
0x4c: {  	_ =	shalt  }
0x4d: {  	_ =	shalt  }
0x4e: {  	_ =	shalt  }
0x4f: {  	_ =	shalt  }
0x50: {  	_ =	shalt  }
0x51: {  	_ =	shalt  }
0x52: {  	_ =	shalt  }
0x53: {  	_ =	shalt  }
0x54: {  	_ =	shalt  }
0x55: {  	_ =	shalt  }
0x56: {  	_ =	shalt  }
0x57: {  	_ =	shalt  }
0x58: {  	_ =	shalt  }
0x59: {  	_ =	shalt  }
0x5a: {  	_ =	shalt  }
0x5b: {  	_ =	shalt  }
0x5c: {  	_ =	shalt  }
0x5d: {  	_ =	shalt  }
0x5e: {  	_ =	shalt  }
0x5f: {  	_ =	shalt  }
0x60: {  	_ =	shalt  }
0x61: {  	_ =	shalt  }
0x62: {  	_ =	shalt  }
0x63: {  	_ =	shalt  }
0x64: {  	_ =	shalt  }
0x65: {  	_ =	shalt  }
0x66: {  	_ =	shalt  }
0x67: {  	_ =	shalt  }
0x68: {  	_ =	shalt  }
0x69: {  	_ =	shalt  }
0x6a: {  	_ =	shalt  }
0x6b: {  	_ =	shalt  }
0x6c: {  	_ =	shalt  }
0x6d: {  	_ =	shalt  }
0x6e: {  	_ =	shalt  }
0x6f: {  	_ =	shalt  }
0x70: {  	_ =	shalt  }
0x71: {  	_ =	shalt  }
0x72: {  	_ =	shalt  }
0x73: {  	_ =	shalt  }
0x74: {  	_ =	shalt  }
0x75: {  	_ =	shalt  }
0x76: {  	_ =	shalt  }
0x77: {  	_ =	shalt  }
0x78: {  	_ =	shalt  }
0x79: {  	_ =	shalt  }
0x7a: {  	_ =	shalt  }
0x7b: {  	_ =	shalt  }
0x7c: {  	_ =	shalt  }
0x7d: {  	_ =	shalt  }
0x7e: {  	_ =	shalt  }
0x7f: {  	_ =	shalt  }
0x80: {  	_ =	shalt  }
0x81: {  	_ =	shalt  }
0x82: {  	_ =	shalt  }
0x83: {  	_ =	shalt  }
0x84: {  	_ =	shalt  }
0x85: {  	_ =	shalt  }
0x86: {  	_ =	shalt  }
0x87: {  	_ =	shalt  }
.Lfunc_end0:
.L_simem_size_0:
called_computation.2_lowered:
.L_overlay_start_0:
0x88: {  	s2 =	sld [smem:$0x3FD9]  }
0x89: {  	s3 =	sld [smem:$0x3FFE];
	_ =	sdelay $0x1  }
0x8a: {  	s1 =	srdreg.scid  }
0x8b: {  	s0 =	sand.u32 $0x1, s1  }
0x8c: {  	s16 =	sshll.u32 s0, $0xA;
	s2 =	sadd.s32 s3, s2  }
0x8d: {  	s2 =	sadd.s32 s2, s16  }
0x8e: {  	[smem:$0x3FBD] =	sst s2  }
0x8f: {  	_ = 	snop  }
0x90: {  	(tm) =	ssettm $0x1  }
0x91: {  	s17 =	sld [smem:$0x3FFB];
	_ =	sdelay $0x3  }
0x92: {  	_ =	strace s17  }
0x93: {  	s2 =	sld [smem:$0x3FFC];
	_ =	sdelay $0x3  }
0x94: {  	_ =	strace s2  }
0x95: {  	s2 =	sld [smem:$0x3FFD];
	_ =	sdelay $0x3  }
0x96: {  	_ =	strace s2  }
0x97: {  	_ =	strace $0x8FFFFFFF  }
0x98: {  	s18 =	sld [smem:$0x3FDB];
	_ =	sdelay $0x1  }
0x99: {  	s19 =	simm.s32 $_scs_section_size  }
0x9a: {  	s4 =	simm.s32 $_size__tile_overlayer_lowered;
	s5 =	simm.s32 $_tile_overlayer_lowered  }
0x9b: {  	s22 =	simm.s32 $0x1BFF;
	s21 =	sshll.u32 s5, $0x1;
	s2 =	sadd.s32 s19, s18  }
0x9c: {  	s6 =	simm.s32 $0x0;
	s20 =	sshll.u32 s4, $0x1;
	s4 =	sadd.s32 s21, s2  }
0x9d: {  	[timem:s6], [sflag:s22] =	dma.local [hbm:s4], s20  }
0x9e: {  	_ =	swait.ge [sflag:s22], s20  }
0x9f: {  	s3 =	ssub.s32 $0x0, s20;
	[sflag:s22] =	ssyncset.done $0x0  }
0xa0: {  	[sflag:s22] =	ssyncadd.s32 s3;
	_ =	sdelay $0x1  }
0xa1: {  	s23 =	simm.s32 $0x1B8B  }
0xa2: {  	_ =	swait.ge [sflag:s23], $0x1  }
0xa3: {  	[sflag:s23] =	ssyncset.done $0x0  }
0xa4: {  	s25 =	simm.s32 $0x1B8E;
	s24 =	sld [smem:$0x3FFE];
	[sflag:s23] =	ssyncadd.s32 $0xFFFFFFFF  }
0xa5: {  	s26 =	simm.s32 $execute0_lowered;
	[smem:$0x3FD2] =	sst s25  }
0xa6: {  	s4 =	sshll.u32 s26, $0x1;
	_ =	strace $0x8000004C;
	[dreg:$0x1] =	wrdreg $0xFFFFFFFF  }
0xa7: {  	s28 =	simm.s32 $_size_execute0_lowered;
	s2 =	sadd.s32 s2, s4;
	[dreg:$0x0] =	wrdreg $0x0  }
0xa8: {  	s4 =	sshll.u32 s28, $0x1;
	[dreg:$0x2] =	wrdreg s2  }
0xa9: {  	[dreg:$0x3] =	wrdreg s4  }
0xaa: {  	[dreg:$0x4] =	wrdreg $0xC0  }
0xab: {  	_ =	task [dreg:s6], $0x5FFFF  }
0xac: {  	[dreg:$0x1] =	wrdreg $0xFFFFFFFF  }
0xad: {  	[dreg:$0x0] =	wrdreg $0x60  }
0xae: {  	[dreg:$0x2] =	wrdreg s24  }
0xaf: {  	[dreg:$0x3] =	wrdreg $0xA8000  }
0xb0: {  	[dreg:$0x4] =	wrdreg $0x9  }
0xb1: {  	_ =	task.clear_ibuf [dreg:s6], $0x5FFFF;
	_ =	strace $0x9000004C  }
0xb2: {  	s29 =	simm.s32 $0x9;
	_ =	strace $0x8000004E  }
0xb3: {  	_ =	swait.ge [sflag:s29], $0x1  }
0xb4: {  	[sflag:s29] =	ssyncadd.s32 $0xFFFFFFFF  }
0xb5: {  	_ =	strace $0x9000004E  }
0xb6: {  	_ =	sfence  }
0xb7: {  	s30 =	sld [smem:$0x0];
	_ =	sdelay $0x2  }
0xb8: {  	s31 =	sshll.u32 s1, $0xD;
	s1 =	sshrl.u32 s1, $0x2  }
0xb9: {  	s3 =	sand.u32 $0x4000, s31;
	s1 =	sadd.s32 s1, s30  }
0xba: {  	s0 =	sor.u32 s3, s0;
	s1 =	sshll.u32 s1, $0x11  }
0xbb: {  	s0 =	sor.u32 s1, s0  }
0xbc: {  	s0 =	sadd.s32 $0x8F2B, s0  }
0xbd: {  	[sflag:s0] =	ssyncadd.remote.s32 $0x1  }
0xbe: {  	_ =	sfence.sel $0xFFFF  }
0xbf: {  	[dreg:$0x0] =	wrdreg $0xFFFFFFFF;
	(pc) =	sbr.abs _section_cstart, $3  }
0xc0: {  	[dreg:$0x1] =	wrdreg $0xFFFFFFFF  }
0xc1: {  	_ =	task.clear_ibuf [dreg:s6], $0x2FFFF;
	_ =	strace $0x9FFFFFFF  }
0xc2: {  	(tm) =	ssettm $0x7FFFFFFF  }
0xc3: {  	_ =	shalt  }
tec
execute0_lowered:
.L_overlay_start_1:
0x0: {  	(tag) =	ssettag $0x1  }
0x1: {  	s6 =	rddreg [dreg:$0x0];
	s0 =	stileid.u32  }
0x2: {  	s1 =	srdreg.scid;
	s4 =	smul.u32 $0x680, s0  }
0x3: {  	s2 =	rddreg [dreg:$0x1];
	s3 =	simm.s32 $0x0;
	s5 =	smul.u32 $0x380, s0  }
0x4: {  	s16 =	simm.s32 $0x6800;
	s17 =	simm.s32 $0x0;
	s8 =	smul.u32 $0x14000, s0  }
0x5: {  	s13 =	sand.u32 $0x1, s1;
	s1 =	rddreg [dreg:$0x2];
	s29 =	smul.u32 $0x50000, s0  }
0x6: {  	[smem:$0x7FF] =	sst s3;
	s12 =	sshll.u32 s0, $0x6;
	s7 =	smul.u32 $0x140000, s13  }
0x7: {  	_ =	strace $0x8000004D;
	s30 =	ssub.s32 $0x2, s13;
	p0 =	sne.s32 s13, $0x0  }
0x8: {  	s10 =	sadd.s32 s4, s6;
	s9 =	sadd.s32 s5, s6;
	s4 =	sadd.s32 $0x10400, s6  }
0x9: {  	s5 =	sadd.s32 $0x3F400, s6;
	s31 =	sshrl.u32 s30, $0x1;
	s28 =	sadd.s32 s8, s7  }
0xa: {  	s8 =	sshrl.u32 s29, $0x2;
	s14 =	ssub.s32 s30, s31;
	s7 =	sshrl.u32 s28, $0x3  }
0xb: {  	s15 =	sadd.s32 s8, s2;
	s8 =	sadd.s32 $0x3BC00, s9;
	s11 =	sadd.s32 s7, s6  }
0xc: {  	s6 =	sor.u32 $0x1C01, s12;
	s7 =	sadd.s32 $0x38400, s9;
	s9 =	sadd.s32 $0x9C00, s10  }
0xd: {  	s10 =	sadd.s32 $0x3400, s10;
	s12 =	smax.u32 s14, $0x1;
	s13 =	sshrl.u32 s15, $0x3  }
0xe: {  	s14 =	simm.s32 $0x1;
	s15 =	simm.s32 $0x80;
	s11 =	sadd.s32 $0x41C00, s11  }
.LBB2_1:
0xf: {  	[spmem:s13], [sflag:s6] =	dma.local [hbm:s5], $0x2800  }
0x10: {  	_ =	swait.ge [sflag:s14], $0x2800  }
0x11: {  	[sflag:s14] =	ssyncset.done $0x0  }
0x12: {  	s18 =	simm.s32 @p0 $0x0;
	s19 =	simm.s32 @p0 $0x1;
	[sflag:s14] =	ssyncadd.s32 $0xFFFFD800  }
0x13: {  	[tilespmem:s18], [sflag:$0x1] =	stream.linear.gather @p0 [hbm4b:s7+s18], $0x1C00, $0x38;
	[tilespmem:$0x1E800] =	vst v63  }
0x14: {  	_ =	swait.ge @p0 [sflag:s19], $0x1C00  }
0x15: {  	[sflag:s19] =	ssyncset.done @p0 $0x0  }
0x16: {  	s20 =	simm.s32 @p0 $0x3400;
	[sflag:s19] =	ssyncadd.s32 @p0 $0xFFFFE400  }
0x17: {  	[tilespmem:s20], [sflag:$0x1] =	stream.linear.gather @p0 [hbm4b:s8+s18], $0x1C00, $0x38;
	[tilespmem:$0x1E800] =	vst v63  }
0x18: {  	_ =	swait.ge @p0 [sflag:s19], $0x1C00  }
0x19: {  	[sflag:s19] =	ssyncset.done @p0 $0x0  }
0x1a: {  	s18 =	simm.s32 @!p0 $0x0;
	[sflag:s19] =	ssyncadd.s32 @p0 $0xFFFFE400;
	s19 =	simm.s32 @!p0 $0x1  }
0x1b: {  	[tilespmem:s18], [sflag:$0x1] =	stream.linear.gather @!p0 [hbm4b:s9+s18], $0x3300, $0x38;
	[tilespmem:$0x1E800] =	vst v63  }
0x1c: {  	_ =	swait.ge @!p0 [sflag:s19], $0x3300  }
0x1d: {  	[sflag:s19] =	ssyncset.done @!p0 $0x0  }
0x1e: {  	s20 =	simm.s32 @!p0 $0x3400;
	[sflag:s19] =	ssyncadd.s32 @!p0 $0xFFFFCD00  }
0x1f: {  	[tilespmem:s20], [sflag:$0x1] =	stream.linear.gather @!p0 [hbm4b:s10+s18], $0x3300, $0x38;
	[tilespmem:$0x1E800] =	vst v63  }
0x20: {  	_ =	swait.ge @!p0 [sflag:s19], $0x3300  }
0x21: {  	[sflag:s19] =	ssyncset.done @!p0 $0x0  }
0x22: {  	[sflag:s19] =	ssyncadd.s32 @!p0 $0xFFFFCD00;
	s19 =	simm.s32 @!p0 $0x66  }
0x23: {  	[bflag:$0x0] =	sbarrier.arrive $0xFFFF;
	s19 =	simm.s32 @p0 $0x38  }
0x24: {  	[tilespmem:s16], [sflag:$0x1] =	stream.indirect.gather [hbm4b:s4+s15], $0x80, s3, s15, $0xb8;
	[tilespmem:$0x1E800] =	vst v63  }
0x25: {  	p1 =	sne.s32 s19, $0x1;
	_ =	swait.ge [sflag:s14], $0x4000  }
.Ltmp0:
0x26: {  	[sflag:s14] =	ssyncset.done $0x0;
	(pc) =	sbr.rel @!p1 .LBB2_3-.Ltmp0, $4  }
0x27: {  	s18 =	simm.s32 $0x3400;
	[sflag:s14] =	ssyncadd.s32 $0xFFFFC000  }
0x28: {  	[spmem:s2] =	stream.indirect.scatter.add.f32 [tilespmem:s16], [sflag:$0x1], $0x80, s18, s15, $0xb8;
	[tilespmem:$0x1E800] =	vst v63  }
0x29: {  	_ =	swait.ge [sflag:s14], $0x4000  }
0x2a: {  	s20 =	simm.s32 $0x0;
	s19 =	sadd.s32 $0xFFFFFFFF, s19;
	[sflag:s14] =	ssyncset.done $0x0  }
.LBB2_2:
0x2b: {  	[sflag:s14] =	ssyncadd.s32 $0xFFFFC000;
	s20 =	sadd.s32 $0x80, s20;
	s18 =	sadd.s32 $0x80, s18  }
0x2c: {  	[tilespmem:s16], [sflag:$0x1] =	stream.indirect.gather [hbm4b:s4+s15], $0x80, s20, s15, $0xb8;
	[tilespmem:$0x1E800] =	vst v63  }
0x2d: {  	p1 =	sne.s32 s19, $0x1;
	s19 =	sadd.s32 $0xFFFFFFFF, s19;
	_ =	swait.ge [sflag:s14], $0x4000  }
.Ltmp1:
0x2e: {  	[sflag:s14] =	ssyncset.done $0x0;
	(pc) =	sbr.rel @p1 .LBB2_2-.Ltmp1, $4  }
0x2f: {  	[sflag:s14] =	ssyncadd.s32 $0xFFFFC000  }
0x30: {  	[spmem:s2] =	stream.indirect.scatter.add.f32 [tilespmem:s16], [sflag:$0x1], $0x80, s18, s15, $0xb8;
	[tilespmem:$0x1E800] =	vst v63  }
0x31: {  	_ =	swait.ge [sflag:s14], $0x4000  }
0x32: {  	[sflag:s14] =	ssyncset.done $0x0  }
.LBB2_3:
0x33: {  	s17 =	sadd.s32 $0x1, s17  }
0x34: {  	[sflag:s14] =	ssyncadd.s32 $0xFFFFC000;
	p1 =	sne.s32 s17, s12  }
.Ltmp2:
0x35: {  	[bflag:$0x0] =	sbarrier.arrive $0xFFFF;
	(pc) =	sbr.rel @p1 .LBB2_1-.Ltmp2, $4  }
0x36: {  	[hbm:s11], [sflag:s6] =	dma.local [spmem:s13], $0x2800  }
0x37: {  	_ =	swait.ge [sflag:s14], $0x2800  }
0x38: {  	[sflag:s14] =	ssyncset.done $0x0  }
0x39: {  	[sflag:s14] =	ssyncadd.s32 $0xFFFFD800  }
0x3a: {  	_ =	sfence.sel $0x180000  }
0x3b: {  	[bflag:$0x0] =	sbarrier.arrive $0xFFFF  }
0x3c: {  	p0 =	sne.s32 s0, $0x0;
	_ =	strace $0x9000004D  }
0x3d: {  	s0 =	sadd.s32 @!p0 $0x100000, s1;
	[bflag:$0x2] =	sbarrier.arrive $0xFFFF  }
0x3e: {  	[sflag:s0] =	ssyncadd.tile.s32 @!p0 $0x1;
	_ =	shalt  }
.Lfunc_end2:
_tile_overlayer_lowered:
.L_overlay_start_2:
0x3f: {  	(tag) =	ssettag $0x2  }
0x40: {  	s0 =	rddreg [dreg:$0x0];
	s2 =	stileid.u32  }
0x41: {  	s1 =	rddreg [dreg:$0x1];
	p0 =	sne.s32 s2, $0x0  }
0x42: {  	s3 =	rddreg [dreg:$0x2];
	[bflag:$0x3] =	sbarrier.arrive $0xFFFF;
	s2 =	simm.s32 @!p0 $0x1C01  }
0x43: {  	[timem:s3], [sflag:s2] =	dma.local @!p0 [hbm:s0], s1  }
0x44: {  	s0 =	simm.s32 @!p0 $0x1  }
0x45: {  	_ =	swait.ge @!p0 [sflag:s0], s1  }
0x46: {  	s1 =	ssub.s32 @!p0 $0x0, s1;
	[sflag:s0] =	ssyncset.done @!p0 $0x0  }
0x47: {  	[sflag:s0] =	ssyncadd.s32 @!p0 s1  }
0x48: {  	[bflag:$0x3] =	sbarrier.arrive $0xFFFF  }
0x49: {  	_ =	shalt  }

// kernel: kernel.8.cloned.1.call-start
scs
__scs_entry_jumppad:
0x0: {  	(pc) =	sbr.rel $0x88, $3  }
0x1: {  	(tag) =	ssettag $0x0;
	lr =	simm.s32 $0x1  }
0x2: {  	[smem:$0x3F96] =	sst lr;
	_ =	strace $0xD0000000  }
0x3: {  	_ = 	snop  }
0x4: {  	_ = 	snop  }
0x5: {  	_ = 	snop  }
0x6: {  	_ = 	snop  }
0x7: {  	_ = 	snop  }
__scs_overlays_trampoline_lowered:
0x8: {  	[smem:$0x3FA5] =	sst s0  }
0x9: {  	[smem:$0x3FA6] =	sst s1  }
0xa: {  	[smem:$0x3FA7] =	sst s2  }
0xb: {  	[smem:$0x3FA8] =	sst s3  }
0xc: {  	[smem:$0x3FA9] =	sst s4  }
0xd: {  	[smem:$0x3FAA] =	sst s5  }
0xe: {  	[smem:$0x3FAB] =	sst s6  }
0xf: {  	[smem:$0x3FAC] =	sst s7  }
0x10: {  	[smem:$0x3FAD] =	sst s8  }
0x11: {  	[smem:$0x3FAE] =	sst s9;
	s0 =	simm.s32 @!p0 $0x0  }
0x12: {  	s1 =	sld [smem:$0x3F94];
	s0 =	simm.s32 @p0 $0x1  }
0x13: {  	[smem:$0x3FAF] =	sst s0;
	s0 =	simm.s32 @!p1 $0x0  }
0x14: {  	s2 =	sld [smem:$0x3F93];
	s0 =	simm.s32 @p1 $0x1  }
0x15: {  	[smem:$0x3FB0] =	sst s0;
	s0 =	simm.s32 @!p2 $0x0  }
0x16: {  	s3 =	sld [smem:$0x3FDB];
	s0 =	simm.s32 @p2 $0x1  }
0x17: {  	s4 =	simm.s32 $0x1BF5;
	[smem:$0x3FB2] =	sst s0  }
0x18: {  	s0 =	sld [smem:$0x3F95];
	_ =	swait.ge [sflag:s4], $0x0  }
0x19: {  	s7 =	sld [smem:$0x3F96]  }
0x1a: {  	s8 =	sadd.s32 $0xFFFFE003, lr  }
0x1b: {  	s9 =	sadd.s32 $0xFFFFFEF7, lr;
	s5 =	simm.s32 $0xFFFFFFFF;
	p2 =	slt.u32 s8, $0xFFFFF086  }
0x1c: {  	p1 =	slt.u32 s9, $0xF7A;
	s5 =	simm.s32 @!p2 $0x0  }
0x1d: {  	s5 =	simm.s32 @p1 $0x1;
	p0 =	seq.s32 s7, s2  }
0x1e: {  	s7 =	smul.u32 @!p0 $0xF7A, s2;
	p2 =	seq.s32 @!p0 s5, $0x0  }
0x1f: {  	s9 =	smul.u32 $0xF7A, s1;
	s8 =	simm.s32 @!p0 $0x1BF5;
	p2 =	por !p2, p0  }
0x20: {  	[sflag:s8] =	ssyncset.s32 @!p0 $0xFFFFF086;
	s6 =	sadd.s32 @!p0 s3, s7;
	s7 =	simm.s32 @!p0 $0x108  }
0x21: {  	s3 =	sadd.s32 s3, s9;
	s6 =	sadd.s32 @!p0 $0x88, s6;
	s7 =	simm.s32 @p2 $0x1082  }
0x22: {  	[simem:s7], [sflag:s8] =	dma.local @!p0 [hbm:s6], $0xF7A  }
0x23: {  	s9 =	sor.u32 $0xD0000000, s2;
	s6 =	simm.s32 $0x108;
	_ =	swait.ge @!p0 [sflag:s8], $0x0  }
0x24: {  	s3 =	sadd.s32 $0x88, s3;
	s6 =	simm.s32 @!p1 $0x1082;
	[sflag:s4] =	ssyncset.s32 $0xFFFFF086  }
0x25: {  	[simem:s6], [sflag:s4] =	dma.local [hbm:s3], $0xF7A  }
0x26: {  	[smem:$0x3F96] =	sst s1;
	(tag) =	ssettag s2;
	_ =	strace s9  }
0x27: {  	s1 =	sld [smem:$0x3FA6]  }
0x28: {  	s2 =	sld [smem:$0x3FA7]  }
0x29: {  	s4 =	sld [smem:$0x3FA9]  }
0x2a: {  	p0 =	seq.s32 s5, $0x0;
	s5 =	sld [smem:$0x3FAA]  }
0x2b: {  	s6 =	sld [smem:$0x3FAB]  }
0x2c: {  	s7 =	sld [smem:$0x3FAC]  }
0x2d: {  	s3 =	simm.s32 $0x108;
	s8 =	sld [smem:$0x3FAD]  }
0x2e: {  	s3 =	simm.s32 @!p0 $0x1082;
	s9 =	sld [smem:$0x3FAE]  }
0x2f: {  	lr =	sadd.s32 s0, s3;
	s0 =	sld [smem:$0x3FA5]  }
0x30: {  	s3 =	sld [smem:$0x3FA8]  }
0x31: {  	[smem:$0x3FB1] =	sst s10  }
0x32: {  	s10 =	sld [smem:$0x3FAF];
	_ =	sdelay $0x3  }
0x33: {  	p0 =	seq.s32 s10, $0x1;
	s10 =	sld [smem:$0x3FB1];
	_ =	sdelay $0x3  }
0x34: {  	[smem:$0x3FB1] =	sst s10  }
0x35: {  	s10 =	sld [smem:$0x3FB0];
	_ =	sdelay $0x3  }
0x36: {  	p1 =	seq.s32 s10, $0x1;
	s10 =	sld [smem:$0x3FB1];
	_ =	sdelay $0x3  }
0x37: {  	[smem:$0x3FB1] =	sst s10  }
0x38: {  	s10 =	sld [smem:$0x3FB2]  }
0x39: {  	_ = 	snop;
	(pc) =	sbr.ind lr, $3  }
0x3a: {  	_ = 	snop  }
0x3b: {  	_ = 	snop  }
0x3c: {  	p2 =	seq.s32 s10, $0x1;
	s10 =	sld [smem:$0x3FB1]  }
0x3d: {  	_ =	shalt  }
0x3e: {  	_ =	shalt  }
0x3f: {  	_ =	shalt  }
0x40: {  	_ =	shalt  }
0x41: {  	_ =	shalt  }
0x42: {  	_ =	shalt  }
0x43: {  	_ =	shalt  }
0x44: {  	_ =	shalt  }
0x45: {  	_ =	shalt  }
0x46: {  	_ =	shalt  }
0x47: {  	_ =	shalt  }
0x48: {  	_ =	shalt  }
0x49: {  	_ =	shalt  }
0x4a: {  	_ =	shalt  }
0x4b: {  	_ =	shalt  }
0x4c: {  	_ =	shalt  }
0x4d: {  	_ =	shalt  }
0x4e: {  	_ =	shalt  }
0x4f: {  	_ =	shalt  }
0x50: {  	_ =	shalt  }
0x51: {  	_ =	shalt  }
0x52: {  	_ =	shalt  }
0x53: {  	_ =	shalt  }
0x54: {  	_ =	shalt  }
0x55: {  	_ =	shalt  }
0x56: {  	_ =	shalt  }
0x57: {  	_ =	shalt  }
0x58: {  	_ =	shalt  }
0x59: {  	_ =	shalt  }
0x5a: {  	_ =	shalt  }
0x5b: {  	_ =	shalt  }
0x5c: {  	_ =	shalt  }
0x5d: {  	_ =	shalt  }
0x5e: {  	_ =	shalt  }
0x5f: {  	_ =	shalt  }
0x60: {  	_ =	shalt  }
0x61: {  	_ =	shalt  }
0x62: {  	_ =	shalt  }
0x63: {  	_ =	shalt  }
0x64: {  	_ =	shalt  }
0x65: {  	_ =	shalt  }
0x66: {  	_ =	shalt  }
0x67: {  	_ =	shalt  }
0x68: {  	_ =	shalt  }
0x69: {  	_ =	shalt  }
0x6a: {  	_ =	shalt  }
0x6b: {  	_ =	shalt  }
0x6c: {  	_ =	shalt  }
0x6d: {  	_ =	shalt  }
0x6e: {  	_ =	shalt  }
0x6f: {  	_ =	shalt  }
0x70: {  	_ =	shalt  }
0x71: {  	_ =	shalt  }
0x72: {  	_ =	shalt  }
0x73: {  	_ =	shalt  }
0x74: {  	_ =	shalt  }
0x75: {  	_ =	shalt  }
0x76: {  	_ =	shalt  }
0x77: {  	_ =	shalt  }
0x78: {  	_ =	shalt  }
0x79: {  	_ =	shalt  }
0x7a: {  	_ =	shalt  }
0x7b: {  	_ =	shalt  }
0x7c: {  	_ =	shalt  }
0x7d: {  	_ =	shalt  }
0x7e: {  	_ =	shalt  }
0x7f: {  	_ =	shalt  }
0x80: {  	_ =	shalt  }
0x81: {  	_ =	shalt  }
0x82: {  	_ =	shalt  }
0x83: {  	_ =	shalt  }
0x84: {  	_ =	shalt  }
0x85: {  	_ =	shalt  }
0x86: {  	_ =	shalt  }
0x87: {  	_ =	shalt  }
.Lfunc_end0:
.L_simem_size_0:
called_computation_lowered:
.L_overlay_start_0:
0x88: {  	s2 =	sld [smem:$0x3FD9]  }
0x89: {  	s3 =	sld [smem:$0x3FFE];
	_ =	sdelay $0x1  }
0x8a: {  	s1 =	srdreg.scid  }
0x8b: {  	s0 =	sand.u32 $0x1, s1  }
0x8c: {  	s16 =	sshll.u32 s0, $0xA;
	s2 =	sadd.s32 s3, s2  }
0x8d: {  	s2 =	sadd.s32 s2, s16  }
0x8e: {  	[smem:$0x3FBD] =	sst s2  }
0x8f: {  	_ = 	snop  }
0x90: {  	(tm) =	ssettm $0x1  }
0x91: {  	s17 =	sld [smem:$0x3FFB];
	_ =	sdelay $0x3  }
0x92: {  	_ =	strace s17  }
0x93: {  	s2 =	sld [smem:$0x3FFC];
	_ =	sdelay $0x3  }
0x94: {  	_ =	strace s2  }
0x95: {  	s2 =	sld [smem:$0x3FFD];
	_ =	sdelay $0x3  }
0x96: {  	_ =	strace s2  }
0x97: {  	_ =	strace $0x8FFFFFFF  }
0x98: {  	s18 =	sld [smem:$0x3FDB];
	_ =	sdelay $0x1  }
0x99: {  	s19 =	simm.s32 $_scs_section_size  }
0x9a: {  	s4 =	simm.s32 $_size__tile_overlayer_lowered;
	s5 =	simm.s32 $_tile_overlayer_lowered  }
0x9b: {  	s22 =	simm.s32 $0x1BFF;
	s21 =	sshll.u32 s5, $0x1;
	s2 =	sadd.s32 s19, s18  }
0x9c: {  	s6 =	simm.s32 $0x0;
	s20 =	sshll.u32 s4, $0x1;
	s4 =	sadd.s32 s21, s2  }
0x9d: {  	[timem:s6], [sflag:s22] =	dma.local [hbm:s4], s20  }
0x9e: {  	_ =	swait.ge [sflag:s22], s20  }
0x9f: {  	s3 =	ssub.s32 $0x0, s20;
	[sflag:s22] =	ssyncset.done $0x0  }
0xa0: {  	[sflag:s22] =	ssyncadd.s32 s3;
	_ =	sdelay $0x1  }
0xa1: {  	s23 =	simm.s32 $0x1B8B  }
0xa2: {  	_ =	swait.ge [sflag:s23], $0x1  }
0xa3: {  	[sflag:s23] =	ssyncset.done $0x0  }
0xa4: {  	s25 =	simm.s32 $0x1B8E;
	s24 =	sld [smem:$0x3FFE];
	[sflag:s23] =	ssyncadd.s32 $0xFFFFFFFF  }
0xa5: {  	s26 =	simm.s32 $execute0_lowered;
	[smem:$0x3FD2] =	sst s25  }
0xa6: {  	s4 =	sshll.u32 s26, $0x1;
	_ =	strace $0x80000046;
	[dreg:$0x1] =	wrdreg $0xFFFFFFFF  }
0xa7: {  	s28 =	simm.s32 $_size_execute0_lowered;
	s2 =	sadd.s32 s2, s4;
	[dreg:$0x0] =	wrdreg $0x0  }
0xa8: {  	s4 =	sshll.u32 s28, $0x1;
	[dreg:$0x2] =	wrdreg s2  }
0xa9: {  	[dreg:$0x3] =	wrdreg s4  }
0xaa: {  	[dreg:$0x4] =	wrdreg $0xC0  }
0xab: {  	_ =	task [dreg:s6], $0x5FFFF  }
0xac: {  	[dreg:$0x1] =	wrdreg $0xFFFFFFFF  }
0xad: {  	[dreg:$0x0] =	wrdreg $0x60  }
0xae: {  	[dreg:$0x2] =	wrdreg s24  }
0xaf: {  	[dreg:$0x3] =	wrdreg $0xA8000  }
0xb0: {  	[dreg:$0x4] =	wrdreg $0x9  }
0xb1: {  	_ =	task.clear_ibuf [dreg:s6], $0x5FFFF;
	_ =	strace $0x90000046  }
0xb2: {  	s29 =	simm.s32 $0x9;
	_ =	strace $0x80000048  }
0xb3: {  	_ =	swait.ge [sflag:s29], $0x1  }
0xb4: {  	[sflag:s29] =	ssyncadd.s32 $0xFFFFFFFF  }
0xb5: {  	_ =	strace $0x90000048  }
0xb6: {  	_ =	sfence  }
0xb7: {  	s30 =	sld [smem:$0x0];
	_ =	sdelay $0x2  }
0xb8: {  	s31 =	sshll.u32 s1, $0xD;
	s1 =	sshrl.u32 s1, $0x2  }
0xb9: {  	s3 =	sand.u32 $0x4000, s31;
	s1 =	sadd.s32 s1, s30  }
0xba: {  	s0 =	sor.u32 s3, s0;
	s1 =	sshll.u32 s1, $0x11  }
0xbb: {  	s0 =	sor.u32 s1, s0  }
0xbc: {  	s0 =	sadd.s32 $0x8F2B, s0  }
0xbd: {  	[sflag:s0] =	ssyncadd.remote.s32 $0x1  }
0xbe: {  	_ =	sfence.sel $0xFFFF  }
0xbf: {  	[dreg:$0x0] =	wrdreg $0xFFFFFFFF;
	(pc) =	sbr.abs _section_cstart, $3  }
0xc0: {  	[dreg:$0x1] =	wrdreg $0xFFFFFFFF  }
0xc1: {  	_ =	task.clear_ibuf [dreg:s6], $0x2FFFF;
	_ =	strace $0x9FFFFFFF  }
0xc2: {  	(tm) =	ssettm $0x7FFFFFFF  }
0xc3: {  	_ =	shalt  }
tec
execute0_lowered:
.L_overlay_start_1:
0x0: {  	(tag) =	ssettag $0x1  }
0x1: {  	s6 =	rddreg [dreg:$0x0];
	s0 =	stileid.u32  }
0x2: {  	s1 =	srdreg.scid;
	s4 =	smul.u32 $0x680, s0  }
0x3: {  	s2 =	rddreg [dreg:$0x1];
	s3 =	simm.s32 $0x0;
	s5 =	smul.u32 $0x380, s0  }
0x4: {  	s16 =	simm.s32 $0x6800;
	s17 =	simm.s32 $0x0;
	s8 =	smul.u32 $0x14000, s0  }
0x5: {  	s13 =	sand.u32 $0x1, s1;
	s1 =	rddreg [dreg:$0x2];
	s29 =	smul.u32 $0x50000, s0  }
0x6: {  	[smem:$0x7FF] =	sst s3;
	s12 =	sshll.u32 s0, $0x6;
	s7 =	smul.u32 $0x140000, s13  }
0x7: {  	_ =	strace $0x80000047;
	s30 =	ssub.s32 $0x2, s13;
	p0 =	sne.s32 s13, $0x0  }
0x8: {  	s10 =	sadd.s32 s4, s6;
	s9 =	sadd.s32 s5, s6;
	s4 =	sadd.s32 $0x10400, s6  }
0x9: {  	s5 =	sadd.s32 $0x3F400, s6;
	s31 =	sshrl.u32 s30, $0x1;
	s28 =	sadd.s32 s8, s7  }
0xa: {  	s8 =	sshrl.u32 s29, $0x2;
	s14 =	ssub.s32 s30, s31;
	s7 =	sshrl.u32 s28, $0x3  }
0xb: {  	s15 =	sadd.s32 s8, s2;
	s8 =	sadd.s32 $0x3BC00, s9;
	s11 =	sadd.s32 s7, s6  }
0xc: {  	s6 =	sor.u32 $0x1C01, s12;
	s7 =	sadd.s32 $0x38400, s9;
	s9 =	sadd.s32 $0x9C00, s10  }
0xd: {  	s10 =	sadd.s32 $0x3400, s10;
	s12 =	smax.u32 s14, $0x1;
	s13 =	sshrl.u32 s15, $0x3  }
0xe: {  	s14 =	simm.s32 $0x1;
	s15 =	simm.s32 $0x80;
	s11 =	sadd.s32 $0x41C00, s11  }
.LBB2_1:
0xf: {  	[spmem:s13], [sflag:s6] =	dma.local [hbm:s5], $0x2800  }
0x10: {  	_ =	swait.ge [sflag:s14], $0x2800  }
0x11: {  	[sflag:s14] =	ssyncset.done $0x0  }
0x12: {  	s18 =	simm.s32 @p0 $0x0;
	s19 =	simm.s32 @p0 $0x1;
	[sflag:s14] =	ssyncadd.s32 $0xFFFFD800  }
0x13: {  	[tilespmem:s18], [sflag:$0x1] =	stream.linear.gather @p0 [hbm4b:s7+s18], $0x1C00, $0x38;
	[tilespmem:$0x1E800] =	vst v63  }
0x14: {  	_ =	swait.ge @p0 [sflag:s19], $0x1C00  }
0x15: {  	[sflag:s19] =	ssyncset.done @p0 $0x0  }
0x16: {  	s20 =	simm.s32 @p0 $0x3400;
	[sflag:s19] =	ssyncadd.s32 @p0 $0xFFFFE400  }
0x17: {  	[tilespmem:s20], [sflag:$0x1] =	stream.linear.gather @p0 [hbm4b:s8+s18], $0x1C00, $0x38;
	[tilespmem:$0x1E800] =	vst v63  }
0x18: {  	_ =	swait.ge @p0 [sflag:s19], $0x1C00  }
0x19: {  	[sflag:s19] =	ssyncset.done @p0 $0x0  }
0x1a: {  	s18 =	simm.s32 @!p0 $0x0;
	[sflag:s19] =	ssyncadd.s32 @p0 $0xFFFFE400;
	s19 =	simm.s32 @!p0 $0x1  }
0x1b: {  	[tilespmem:s18], [sflag:$0x1] =	stream.linear.gather @!p0 [hbm4b:s9+s18], $0x3300, $0x38;
	[tilespmem:$0x1E800] =	vst v63  }
0x1c: {  	_ =	swait.ge @!p0 [sflag:s19], $0x3300  }
0x1d: {  	[sflag:s19] =	ssyncset.done @!p0 $0x0  }
0x1e: {  	s20 =	simm.s32 @!p0 $0x3400;
	[sflag:s19] =	ssyncadd.s32 @!p0 $0xFFFFCD00  }
0x1f: {  	[tilespmem:s20], [sflag:$0x1] =	stream.linear.gather @!p0 [hbm4b:s10+s18], $0x3300, $0x38;
	[tilespmem:$0x1E800] =	vst v63  }
0x20: {  	_ =	swait.ge @!p0 [sflag:s19], $0x3300  }
0x21: {  	[sflag:s19] =	ssyncset.done @!p0 $0x0  }
0x22: {  	[sflag:s19] =	ssyncadd.s32 @!p0 $0xFFFFCD00;
	s19 =	simm.s32 @!p0 $0x66  }
0x23: {  	[bflag:$0x0] =	sbarrier.arrive $0xFFFF;
	s19 =	simm.s32 @p0 $0x38  }
0x24: {  	[tilespmem:s16], [sflag:$0x1] =	stream.indirect.gather [hbm4b:s4+s15], $0x80, s3, s15, $0xb8;
	[tilespmem:$0x1E800] =	vst v63  }
0x25: {  	p1 =	sne.s32 s19, $0x1;
	_ =	swait.ge [sflag:s14], $0x4000  }
.Ltmp0:
0x26: {  	[sflag:s14] =	ssyncset.done $0x0;
	(pc) =	sbr.rel @!p1 .LBB2_3-.Ltmp0, $4  }
0x27: {  	s18 =	simm.s32 $0x3400;
	[sflag:s14] =	ssyncadd.s32 $0xFFFFC000  }
0x28: {  	[spmem:s2] =	stream.indirect.scatter.add.f32 [tilespmem:s16], [sflag:$0x1], $0x80, s18, s15, $0xb8;
	[tilespmem:$0x1E800] =	vst v63  }
0x29: {  	_ =	swait.ge [sflag:s14], $0x4000  }
0x2a: {  	s20 =	simm.s32 $0x0;
	s19 =	sadd.s32 $0xFFFFFFFF, s19;
	[sflag:s14] =	ssyncset.done $0x0  }
.LBB2_2:
0x2b: {  	[sflag:s14] =	ssyncadd.s32 $0xFFFFC000;
	s20 =	sadd.s32 $0x80, s20;
	s18 =	sadd.s32 $0x80, s18  }
0x2c: {  	[tilespmem:s16], [sflag:$0x1] =	stream.indirect.gather [hbm4b:s4+s15], $0x80, s20, s15, $0xb8;
	[tilespmem:$0x1E800] =	vst v63  }
0x2d: {  	p1 =	sne.s32 s19, $0x1;
	s19 =	sadd.s32 $0xFFFFFFFF, s19;
	_ =	swait.ge [sflag:s14], $0x4000  }
.Ltmp1:
0x2e: {  	[sflag:s14] =	ssyncset.done $0x0;
	(pc) =	sbr.rel @p1 .LBB2_2-.Ltmp1, $4  }
0x2f: {  	[sflag:s14] =	ssyncadd.s32 $0xFFFFC000  }
0x30: {  	[spmem:s2] =	stream.indirect.scatter.add.f32 [tilespmem:s16], [sflag:$0x1], $0x80, s18, s15, $0xb8;
	[tilespmem:$0x1E800] =	vst v63  }
0x31: {  	_ =	swait.ge [sflag:s14], $0x4000  }
0x32: {  	[sflag:s14] =	ssyncset.done $0x0  }
.LBB2_3:
0x33: {  	s17 =	sadd.s32 $0x1, s17  }
0x34: {  	[sflag:s14] =	ssyncadd.s32 $0xFFFFC000;
	p1 =	sne.s32 s17, s12  }
.Ltmp2:
0x35: {  	[bflag:$0x0] =	sbarrier.arrive $0xFFFF;
	(pc) =	sbr.rel @p1 .LBB2_1-.Ltmp2, $4  }
0x36: {  	[hbm:s11], [sflag:s6] =	dma.local [spmem:s13], $0x2800  }
0x37: {  	_ =	swait.ge [sflag:s14], $0x2800  }
0x38: {  	[sflag:s14] =	ssyncset.done $0x0  }
0x39: {  	[sflag:s14] =	ssyncadd.s32 $0xFFFFD800  }
0x3a: {  	_ =	sfence.sel $0x180000  }
0x3b: {  	[bflag:$0x0] =	sbarrier.arrive $0xFFFF  }
0x3c: {  	p0 =	sne.s32 s0, $0x0;
	_ =	strace $0x90000047  }
0x3d: {  	s0 =	sadd.s32 @!p0 $0x100000, s1;
	[bflag:$0x2] =	sbarrier.arrive $0xFFFF  }
0x3e: {  	[sflag:s0] =	ssyncadd.tile.s32 @!p0 $0x1;
	_ =	shalt  }
.Lfunc_end2:
_tile_overlayer_lowered:
.L_overlay_start_2:
0x3f: {  	(tag) =	ssettag $0x2  }
0x40: {  	s0 =	rddreg [dreg:$0x0];
	s2 =	stileid.u32  }
0x41: {  	s1 =	rddreg [dreg:$0x1];
	p0 =	sne.s32 s2, $0x0  }
0x42: {  	s3 =	rddreg [dreg:$0x2];
	[bflag:$0x3] =	sbarrier.arrive $0xFFFF;
	s2 =	simm.s32 @!p0 $0x1C01  }
0x43: {  	[timem:s3], [sflag:s2] =	dma.local @!p0 [hbm:s0], s1  }
0x44: {  	s0 =	simm.s32 @!p0 $0x1  }
0x45: {  	_ =	swait.ge @!p0 [sflag:s0], s1  }
0x46: {  	s1 =	ssub.s32 @!p0 $0x0, s1;
	[sflag:s0] =	ssyncset.done @!p0 $0x0  }
0x47: {  	[sflag:s0] =	ssyncadd.s32 @!p0 s1  }
0x48: {  	[bflag:$0x3] =	sbarrier.arrive $0xFFFF  }
0x49: {  	_ =	shalt  }

</sc_bundles>
